<compile_context>
chip_gen: v7x
topology: tpu7x:2x2x1
jax: 0.10.2.dev20260603
libtpu: 0.0.44.dev20260713+nightly
codegen_flags: <defaults>
</compile_context>

<pallas_src>
import functools

import jax
import jax.numpy as jnp
from jax import lax
from jax.experimental import pallas as pl
from jax.experimental.pallas import tpu as pltpu
from jax.experimental.pallas import tpu_sc as plsc

_SEQ = 8192
_C = 13
_B = 4
_LANES = 128
_NBLK = _SEQ // _LANES
_NUM_CORES = 2
_HALF = _SEQ // 2
_HALF_BLK = _NBLK // 2


@functools.partial(
    pl.kernel,
    mesh=plsc.ScalarSubcoreMesh(axis_name="core", num_cores=_NUM_CORES),
    out_type=jax.ShapeDtypeStruct((_C, _NBLK, _B, _LANES), jnp.float32),
    compiler_params=pltpu.CompilerParams(needs_layout_passes=False),
    scratch_types=[
        pltpu.VMEM_SHARED((_C, _HALF_BLK, _LANES), jnp.float32),
        pltpu.SemaphoreType.DMA,
        pltpu.SemaphoreType.DMA,
    ],
)
def _bcast_scs(wt_hbm, out_hbm, staged, sem_in, sem_out):
    h = lax.axis_index("core")
    stages = []
    for c in range(_C):
        st = pltpu.make_async_copy(
            wt_hbm.at[pl.ds(c, 1), pl.ds(h * _HALF, _HALF)],
            staged.at[c].reshape(1, _HALF),
            sem_in,
        )
        st.start()
        stages.append(st)
    copies = []
    for c in range(_C):
        stages[c].wait()
        for b in range(_B):
            cp = pltpu.make_async_copy(
                staged.at[c],
                out_hbm.at[c, pl.ds(h * _HALF_BLK, _HALF_BLK), b, :],
                sem_out,
            )
            cp.start()
            copies.append(cp)
    for cp in copies:
        cp.wait()


def kernel(x, row_embed_weight):
    del x
    wt = row_embed_weight.T
    tmp = _bcast_scs(wt)
    return jnp.transpose(tmp, (2, 0, 1, 3)).reshape(_B, _C, _SEQ)

# --- scband reference (transcript-rebuilt; emitter-appended) ---
"""Pipeline reference for scband-position-embedding-learned-85383949845131 (READ-ONLY COPY).

The authoritative reference and input builder live on the scoring server;
editing this copy changes nothing except your own understanding.
"""

import jax, jax.numpy as jnp
import numpy as np
import math

SEQ_LENGTH = 8192
C = math.ceil(math.log(SEQ_LENGTH) / math.log(2.0))  # 13

def setup_inputs(seed: int = 0) -> dict:
    key = jax.random.key(seed)
    k1, k2 = jax.random.split(key)
    x = jax.random.normal(k1, (4, SEQ_LENGTH), dtype=jnp.float32)
    # row_embed weight initialized with uniform_ in [0, 1)
    row_embed_weight = jax.random.uniform(k2, (SEQ_LENGTH, C), dtype=jnp.float32)
    return {"x": x, "row_embed_weight": row_embed_weight}

def reference(x, row_embed_weight):
    size = x.shape[-1]
    i = jnp.arange(size)
    x_emb = jnp.take(row_embed_weight, i, axis=0)  # [size, C]
    # (the in-forward `x_emb.unsqueeze(0).repeat(size,1,1)` result is discarded in the original)
    out = jnp.tile(x_emb[None, :, :], (x.shape[0], 1, 1))  # [B, size, C]
    out = jnp.transpose(out, (0, 2, 1))  # [B, C, size]
    return out

if __name__ == "__main__":
    import jax
    _d = setup_inputs()
    print(jax.jit(kernel)(*tuple(_d.values())))

</pallas_src>

<mosaic_0001>
#map = affine_map<(d0) -> (0, 0)>
#map1 = affine_map<(d0) -> (0, 0, 0, 0)>
module attributes {stable_mosaic.version = 14 : i64} {
  func.func @_bcast_scs(%arg0: i32, %arg1: memref<13x8192xf32, #tpu.memory_space<hbm>>, %arg2: memref<13x64x4x128xf32, #tpu.memory_space<hbm>>, %arg3: memref<13x32x128xf32, #tpu.memory_space<vmem_shared>>, %arg4: memref<!tpu.dma_semaphore, #tpu.memory_space<semaphore_mem>>, %arg5: memref<!tpu.dma_semaphore, #tpu.memory_space<semaphore_mem>>) attributes {dimension_semantics = [#tpu.dimension_semantics<core_parallel>], iteration_bounds = array<i64: 2>, scalar_prefetch = 0 : i64, scratch_operands = 3 : i64, tpu.core_type = #tpu.core_type<sc_scalar_subcore>, window_params = [{transform_indices = #map}, {transform_indices = #map1}]} {
    %mul3A = arith.constant 4096 : i32
    %mul3A_0 = arith.muli %arg0, %mul3A : i32
    %dma_start3A = arith.constant 0 : i32
    %dma_start3A_1 = arith.constant 0 : i32
    %dma_start3A_2 = arith.constant 0 : i32
    %dma_start3A_3 = tpu.memref_slice %arg3[%dma_start3A, %dma_start3A_1, %dma_start3A_2] : memref<13x32x128xf32, #tpu.memory_space<vmem_shared>> -> memref<1x32x128xf32, #tpu.memory_space<vmem_shared>>
    %dma_start3A_4 = tpu.memref_squeeze %dma_start3A_3 : memref<1x32x128xf32, #tpu.memory_space<vmem_shared>> -> memref<32x128xf32, #tpu.memory_space<vmem_shared>>
    %dma_start3A_5 = tpu.memref_reshape %dma_start3A_4 : memref<32x128xf32, #tpu.memory_space<vmem_shared>> -> memref<1x4096xf32, #tpu.memory_space<vmem_shared>>
    %dma_start3A_6 = arith.constant 0 : i32
    %dma_start3A_7 = tpu.memref_slice %arg1[%dma_start3A_6, %mul3A_0] : memref<13x8192xf32, #tpu.memory_space<hbm>> -> memref<1x4096xf32, #tpu.memory_space<hbm>>
    tpu.enqueue_dma source(%dma_start3A_7 : memref<1x4096xf32, #tpu.memory_space<hbm>>) target(%dma_start3A_5 : memref<1x4096xf32, #tpu.memory_space<vmem_shared>>) target_semaphore(%arg4 : memref<!tpu.dma_semaphore, #tpu.memory_space<semaphore_mem>>)
    %mul3A_8 = arith.constant 4096 : i32
    %mul3A_9 = arith.muli %arg0, %mul3A_8 : i32
    %dma_start3A_10 = arith.constant 1 : i32
    %dma_start3A_11 = arith.constant 0 : i32
    %dma_start3A_12 = arith.constant 0 : i32
    %dma_start3A_13 = tpu.memref_slice %arg3[%dma_start3A_10, %dma_start3A_11, %dma_start3A_12] : memref<13x32x128xf32, #tpu.memory_space<vmem_shared>> -> memref<1x32x128xf32, #tpu.memory_space<vmem_shared>>
    %dma_start3A_14 = tpu.memref_squeeze %dma_start3A_13 : memref<1x32x128xf32, #tpu.memory_space<vmem_shared>> -> memref<32x128xf32, #tpu.memory_space<vmem_shared>>
    %dma_start3A_15 = tpu.memref_reshape %dma_start3A_14 : memref<32x128xf32, #tpu.memory_space<vmem_shared>> -> memref<1x4096xf32, #tpu.memory_space<vmem_shared>>
    %dma_start3A_16 = arith.constant 1 : i32
    %dma_start3A_17 = tpu.memref_slice %arg1[%dma_start3A_16, %mul3A_9] : memref<13x8192xf32, #tpu.memory_space<hbm>> -> memref<1x4096xf32, #tpu.memory_space<hbm>>
    tpu.enqueue_dma source(%dma_start3A_17 : memref<1x4096xf32, #tpu.memory_space<hbm>>) target(%dma_start3A_15 : memref<1x4096xf32, #tpu.memory_space<vmem_shared>>) target_semaphore(%arg4 : memref<!tpu.dma_semaphore, #tpu.memory_space<semaphore_mem>>)
    %mul3A_18 = arith.constant 4096 : i32
    %mul3A_19 = arith.muli %arg0, %mul3A_18 : i32
    %dma_start3A_20 = arith.constant 2 : i32
    %dma_start3A_21 = arith.constant 0 : i32
    %dma_start3A_22 = arith.constant 0 : i32
    %dma_start3A_23 = tpu.memref_slice %arg3[%dma_start3A_20, %dma_start3A_21, %dma_start3A_22] : memref<13x32x128xf32, #tpu.memory_space<vmem_shared>> -> memref<1x32x128xf32, #tpu.memory_space<vmem_shared>>
    %dma_start3A_24 = tpu.memref_squeeze %dma_start3A_23 : memref<1x32x128xf32, #tpu.memory_space<vmem_shared>> -> memref<32x128xf32, #tpu.memory_space<vmem_shared>>
    %dma_start3A_25 = tpu.memref_reshape %dma_start3A_24 : memref<32x128xf32, #tpu.memory_space<vmem_shared>> -> memref<1x4096xf32, #tpu.memory_space<vmem_shared>>
    %dma_start3A_26 = arith.constant 2 : i32
    %dma_start3A_27 = tpu.memref_slice %arg1[%dma_start3A_26, %mul3A_19] : memref<13x8192xf32, #tpu.memory_space<hbm>> -> memref<1x4096xf32, #tpu.memory_space<hbm>>
    tpu.enqueue_dma source(%dma_start3A_27 : memref<1x4096xf32, #tpu.memory_space<hbm>>) target(%dma_start3A_25 : memref<1x4096xf32, #tpu.memory_space<vmem_shared>>) target_semaphore(%arg4 : memref<!tpu.dma_semaphore, #tpu.memory_space<semaphore_mem>>)
    %mul3A_28 = arith.constant 4096 : i32
    %mul3A_29 = arith.muli %arg0, %mul3A_28 : i32
    %dma_start3A_30 = arith.constant 3 : i32
    %dma_start3A_31 = arith.constant 0 : i32
    %dma_start3A_32 = arith.constant 0 : i32
    %dma_start3A_33 = tpu.memref_slice %arg3[%dma_start3A_30, %dma_start3A_31, %dma_start3A_32] : memref<13x32x128xf32, #tpu.memory_space<vmem_shared>> -> memref<1x32x128xf32, #tpu.memory_space<vmem_shared>>
    %dma_start3A_34 = tpu.memref_squeeze %dma_start3A_33 : memref<1x32x128xf32, #tpu.memory_space<vmem_shared>> -> memref<32x128xf32, #tpu.memory_space<vmem_shared>>
    %dma_start3A_35 = tpu.memref_reshape %dma_start3A_34 : memref<32x128xf32, #tpu.memory_space<vmem_shared>> -> memref<1x4096xf32, #tpu.memory_space<vmem_shared>>
    %dma_start3A_36 = arith.constant 3 : i32
    %dma_start3A_37 = tpu.memref_slice %arg1[%dma_start3A_36, %mul3A_29] : memref<13x8192xf32, #tpu.memory_space<hbm>> -> memref<1x4096xf32, #tpu.memory_space<hbm>>
    tpu.enqueue_dma source(%dma_start3A_37 : memref<1x4096xf32, #tpu.memory_space<hbm>>) target(%dma_start3A_35 : memref<1x4096xf32, #tpu.memory_space<vmem_shared>>) target_semaphore(%arg4 : memref<!tpu.dma_semaphore, #tpu.memory_space<semaphore_mem>>)
    %mul3A_38 = arith.constant 4096 : i32
    %mul3A_39 = arith.muli %arg0, %mul3A_38 : i32
    %dma_start3A_40 = arith.constant 4 : i32
    %dma_start3A_41 = arith.constant 0 : i32
    %dma_start3A_42 = arith.constant 0 : i32
    %dma_start3A_43 = tpu.memref_slice %arg3[%dma_start3A_40, %dma_start3A_41, %dma_start3A_42] : memref<13x32x128xf32, #tpu.memory_space<vmem_shared>> -> memref<1x32x128xf32, #tpu.memory_space<vmem_shared>>
    %dma_start3A_44 = tpu.memref_squeeze %dma_start3A_43 : memref<1x32x128xf32, #tpu.memory_space<vmem_shared>> -> memref<32x128xf32, #tpu.memory_space<vmem_shared>>
    %dma_start3A_45 = tpu.memref_reshape %dma_start3A_44 : memref<32x128xf32, #tpu.memory_space<vmem_shared>> -> memref<1x4096xf32, #tpu.memory_space<vmem_shared>>
    %dma_start3A_46 = arith.constant 4 : i32
    %dma_start3A_47 = tpu.memref_slice %arg1[%dma_start3A_46, %mul3A_39] : memref<13x8192xf32, #tpu.memory_space<hbm>> -> memref<1x4096xf32, #tpu.memory_space<hbm>>
    tpu.enqueue_dma source(%dma_start3A_47 : memref<1x4096xf32, #tpu.memory_space<hbm>>) target(%dma_start3A_45 : memref<1x4096xf32, #tpu.memory_space<vmem_shared>>) target_semaphore(%arg4 : memref<!tpu.dma_semaphore, #tpu.memory_space<semaphore_mem>>)
    %mul3A_48 = arith.constant 4096 : i32
    %mul3A_49 = arith.muli %arg0, %mul3A_48 : i32
    %dma_start3A_50 = arith.constant 5 : i32
    %dma_start3A_51 = arith.constant 0 : i32
    %dma_start3A_52 = arith.constant 0 : i32
    %dma_start3A_53 = tpu.memref_slice %arg3[%dma_start3A_50, %dma_start3A_51, %dma_start3A_52] : memref<13x32x128xf32, #tpu.memory_space<vmem_shared>> -> memref<1x32x128xf32, #tpu.memory_space<vmem_shared>>
    %dma_start3A_54 = tpu.memref_squeeze %dma_start3A_53 : memref<1x32x128xf32, #tpu.memory_space<vmem_shared>> -> memref<32x128xf32, #tpu.memory_space<vmem_shared>>
    %dma_start3A_55 = tpu.memref_reshape %dma_start3A_54 : memref<32x128xf32, #tpu.memory_space<vmem_shared>> -> memref<1x4096xf32, #tpu.memory_space<vmem_shared>>
    %dma_start3A_56 = arith.constant 5 : i32
    %dma_start3A_57 = tpu.memref_slice %arg1[%dma_start3A_56, %mul3A_49] : memref<13x8192xf32, #tpu.memory_space<hbm>> -> memref<1x4096xf32, #tpu.memory_space<hbm>>
    tpu.enqueue_dma source(%dma_start3A_57 : memref<1x4096xf32, #tpu.memory_space<hbm>>) target(%dma_start3A_55 : memref<1x4096xf32, #tpu.memory_space<vmem_shared>>) target_semaphore(%arg4 : memref<!tpu.dma_semaphore, #tpu.memory_space<semaphore_mem>>)
    %mul3A_58 = arith.constant 4096 : i32
    %mul3A_59 = arith.muli %arg0, %mul3A_58 : i32
    %dma_start3A_60 = arith.constant 6 : i32
    %dma_start3A_61 = arith.constant 0 : i32
    %dma_start3A_62 = arith.constant 0 : i32
    %dma_start3A_63 = tpu.memref_slice %arg3[%dma_start3A_60, %dma_start3A_61, %dma_start3A_62] : memref<13x32x128xf32, #tpu.memory_space<vmem_shared>> -> memref<1x32x128xf32, #tpu.memory_space<vmem_shared>>
    %dma_start3A_64 = tpu.memref_squeeze %dma_start3A_63 : memref<1x32x128xf32, #tpu.memory_space<vmem_shared>> -> memref<32x128xf32, #tpu.memory_space<vmem_shared>>
    %dma_start3A_65 = tpu.memref_reshape %dma_start3A_64 : memref<32x128xf32, #tpu.memory_space<vmem_shared>> -> memref<1x4096xf32, #tpu.memory_space<vmem_shared>>
    %dma_start3A_66 = arith.constant 6 : i32
    %dma_start3A_67 = tpu.memref_slice %arg1[%dma_start3A_66, %mul3A_59] : memref<13x8192xf32, #tpu.memory_space<hbm>> -> memref<1x4096xf32, #tpu.memory_space<hbm>>
    tpu.enqueue_dma source(%dma_start3A_67 : memref<1x4096xf32, #tpu.memory_space<hbm>>) target(%dma_start3A_65 : memref<1x4096xf32, #tpu.memory_space<vmem_shared>>) target_semaphore(%arg4 : memref<!tpu.dma_semaphore, #tpu.memory_space<semaphore_mem>>)
    %mul3A_68 = arith.constant 4096 : i32
    %mul3A_69 = arith.muli %arg0, %mul3A_68 : i32
    %dma_start3A_70 = arith.constant 7 : i32
    %dma_start3A_71 = arith.constant 0 : i32
    %dma_start3A_72 = arith.constant 0 : i32
    %dma_start3A_73 = tpu.memref_slice %arg3[%dma_start3A_70, %dma_start3A_71, %dma_start3A_72] : memref<13x32x128xf32, #tpu.memory_space<vmem_shared>> -> memref<1x32x128xf32, #tpu.memory_space<vmem_shared>>
    %dma_start3A_74 = tpu.memref_squeeze %dma_start3A_73 : memref<1x32x128xf32, #tpu.memory_space<vmem_shared>> -> memref<32x128xf32, #tpu.memory_space<vmem_shared>>
    %dma_start3A_75 = tpu.memref_reshape %dma_start3A_74 : memref<32x128xf32, #tpu.memory_space<vmem_shared>> -> memref<1x4096xf32, #tpu.memory_space<vmem_shared>>
    %dma_start3A_76 = arith.constant 7 : i32
    %dma_start3A_77 = tpu.memref_slice %arg1[%dma_start3A_76, %mul3A_69] : memref<13x8192xf32, #tpu.memory_space<hbm>> -> memref<1x4096xf32, #tpu.memory_space<hbm>>
    tpu.enqueue_dma source(%dma_start3A_77 : memref<1x4096xf32, #tpu.memory_space<hbm>>) target(%dma_start3A_75 : memref<1x4096xf32, #tpu.memory_space<vmem_shared>>) target_semaphore(%arg4 : memref<!tpu.dma_semaphore, #tpu.memory_space<semaphore_mem>>)
    %mul3A_78 = arith.constant 4096 : i32
    %mul3A_79 = arith.muli %arg0, %mul3A_78 : i32
    %dma_start3A_80 = arith.constant 8 : i32
    %dma_start3A_81 = arith.constant 0 : i32
    %dma_start3A_82 = arith.constant 0 : i32
    %dma_start3A_83 = tpu.memref_slice %arg3[%dma_start3A_80, %dma_start3A_81, %dma_start3A_82] : memref<13x32x128xf32, #tpu.memory_space<vmem_shared>> -> memref<1x32x128xf32, #tpu.memory_space<vmem_shared>>
    %dma_start3A_84 = tpu.memref_squeeze %dma_start3A_83 : memref<1x32x128xf32, #tpu.memory_space<vmem_shared>> -> memref<32x128xf32, #tpu.memory_space<vmem_shared>>
    %dma_start3A_85 = tpu.memref_reshape %dma_start3A_84 : memref<32x128xf32, #tpu.memory_space<vmem_shared>> -> memref<1x4096xf32, #tpu.memory_space<vmem_shared>>
    %dma_start3A_86 = arith.constant 8 : i32
    %dma_start3A_87 = tpu.memref_slice %arg1[%dma_start3A_86, %mul3A_79] : memref<13x8192xf32, #tpu.memory_space<hbm>> -> memref<1x4096xf32, #tpu.memory_space<hbm>>
    tpu.enqueue_dma source(%dma_start3A_87 : memref<1x4096xf32, #tpu.memory_space<hbm>>) target(%dma_start3A_85 : memref<1x4096xf32, #tpu.memory_space<vmem_shared>>) target_semaphore(%arg4 : memref<!tpu.dma_semaphore, #tpu.memory_space<semaphore_mem>>)
    %mul3A_88 = arith.constant 4096 : i32
    %mul3A_89 = arith.muli %arg0, %mul3A_88 : i32
    %dma_start3A_90 = arith.constant 9 : i32
    %dma_start3A_91 = arith.constant 0 : i32
    %dma_start3A_92 = arith.constant 0 : i32
    %dma_start3A_93 = tpu.memref_slice %arg3[%dma_start3A_90, %dma_start3A_91, %dma_start3A_92] : memref<13x32x128xf32, #tpu.memory_space<vmem_shared>> -> memref<1x32x128xf32, #tpu.memory_space<vmem_shared>>
    %dma_start3A_94 = tpu.memref_squeeze %dma_start3A_93 : memref<1x32x128xf32, #tpu.memory_space<vmem_shared>> -> memref<32x128xf32, #tpu.memory_space<vmem_shared>>
    %dma_start3A_95 = tpu.memref_reshape %dma_start3A_94 : memref<32x128xf32, #tpu.memory_space<vmem_shared>> -> memref<1x4096xf32, #tpu.memory_space<vmem_shared>>
    %dma_start3A_96 = arith.constant 9 : i32
    %dma_start3A_97 = tpu.memref_slice %arg1[%dma_start3A_96, %mul3A_89] : memref<13x8192xf32, #tpu.memory_space<hbm>> -> memref<1x4096xf32, #tpu.memory_space<hbm>>
    tpu.enqueue_dma source(%dma_start3A_97 : memref<1x4096xf32, #tpu.memory_space<hbm>>) target(%dma_start3A_95 : memref<1x4096xf32, #tpu.memory_space<vmem_shared>>) target_semaphore(%arg4 : memref<!tpu.dma_semaphore, #tpu.memory_space<semaphore_mem>>)
    %mul3A_98 = arith.constant 4096 : i32
    %mul3A_99 = arith.muli %arg0, %mul3A_98 : i32
    %dma_start3A_100 = arith.constant 10 : i32
    %dma_start3A_101 = arith.constant 0 : i32
    %dma_start3A_102 = arith.constant 0 : i32
    %dma_start3A_103 = tpu.memref_slice %arg3[%dma_start3A_100, %dma_start3A_101, %dma_start3A_102] : memref<13x32x128xf32, #tpu.memory_space<vmem_shared>> -> memref<1x32x128xf32, #tpu.memory_space<vmem_shared>>
    %dma_start3A_104 = tpu.memref_squeeze %dma_start3A_103 : memref<1x32x128xf32, #tpu.memory_space<vmem_shared>> -> memref<32x128xf32, #tpu.memory_space<vmem_shared>>
    %dma_start3A_105 = tpu.memref_reshape %dma_start3A_104 : memref<32x128xf32, #tpu.memory_space<vmem_shared>> -> memref<1x4096xf32, #tpu.memory_space<vmem_shared>>
    %dma_start3A_106 = arith.constant 10 : i32
    %dma_start3A_107 = tpu.memref_slice %arg1[%dma_start3A_106, %mul3A_99] : memref<13x8192xf32, #tpu.memory_space<hbm>> -> memref<1x4096xf32, #tpu.memory_space<hbm>>
    tpu.enqueue_dma source(%dma_start3A_107 : memref<1x4096xf32, #tpu.memory_space<hbm>>) target(%dma_start3A_105 : memref<1x4096xf32, #tpu.memory_space<vmem_shared>>) target_semaphore(%arg4 : memref<!tpu.dma_semaphore, #tpu.memory_space<semaphore_mem>>)
    %mul3A_108 = arith.constant 4096 : i32
    %mul3A_109 = arith.muli %arg0, %mul3A_108 : i32
    %dma_start3A_110 = arith.constant 11 : i32
    %dma_start3A_111 = arith.constant 0 : i32
    %dma_start3A_112 = arith.constant 0 : i32
    %dma_start3A_113 = tpu.memref_slice %arg3[%dma_start3A_110, %dma_start3A_111, %dma_start3A_112] : memref<13x32x128xf32, #tpu.memory_space<vmem_shared>> -> memref<1x32x128xf32, #tpu.memory_space<vmem_shared>>
    %dma_start3A_114 = tpu.memref_squeeze %dma_start3A_113 : memref<1x32x128xf32, #tpu.memory_space<vmem_shared>> -> memref<32x128xf32, #tpu.memory_space<vmem_shared>>
    %dma_start3A_115 = tpu.memref_reshape %dma_start3A_114 : memref<32x128xf32, #tpu.memory_space<vmem_shared>> -> memref<1x4096xf32, #tpu.memory_space<vmem_shared>>
    %dma_start3A_116 = arith.constant 11 : i32
    %dma_start3A_117 = tpu.memref_slice %arg1[%dma_start3A_116, %mul3A_109] : memref<13x8192xf32, #tpu.memory_space<hbm>> -> memref<1x4096xf32, #tpu.memory_space<hbm>>
    tpu.enqueue_dma source(%dma_start3A_117 : memref<1x4096xf32, #tpu.memory_space<hbm>>) target(%dma_start3A_115 : memref<1x4096xf32, #tpu.memory_space<vmem_shared>>) target_semaphore(%arg4 : memref<!tpu.dma_semaphore, #tpu.memory_space<semaphore_mem>>)
    %mul3A_118 = arith.constant 4096 : i32
    %mul3A_119 = arith.muli %arg0, %mul3A_118 : i32
    %dma_start3A_120 = arith.constant 12 : i32
    %dma_start3A_121 = arith.constant 0 : i32
    %dma_start3A_122 = arith.constant 0 : i32
    %dma_start3A_123 = tpu.memref_slice %arg3[%dma_start3A_120, %dma_start3A_121, %dma_start3A_122] : memref<13x32x128xf32, #tpu.memory_space<vmem_shared>> -> memref<1x32x128xf32, #tpu.memory_space<vmem_shared>>
    %dma_start3A_124 = tpu.memref_squeeze %dma_start3A_123 : memref<1x32x128xf32, #tpu.memory_space<vmem_shared>> -> memref<32x128xf32, #tpu.memory_space<vmem_shared>>
    %dma_start3A_125 = tpu.memref_reshape %dma_start3A_124 : memref<32x128xf32, #tpu.memory_space<vmem_shared>> -> memref<1x4096xf32, #tpu.memory_space<vmem_shared>>
    %dma_start3A_126 = arith.constant 12 : i32
    %dma_start3A_127 = tpu.memref_slice %arg1[%dma_start3A_126, %mul3A_119] : memref<13x8192xf32, #tpu.memory_space<hbm>> -> memref<1x4096xf32, #tpu.memory_space<hbm>>
    tpu.enqueue_dma source(%dma_start3A_127 : memref<1x4096xf32, #tpu.memory_space<hbm>>) target(%dma_start3A_125 : memref<1x4096xf32, #tpu.memory_space<vmem_shared>>) target_semaphore(%arg4 : memref<!tpu.dma_semaphore, #tpu.memory_space<semaphore_mem>>)
    %dma_wait3A = arith.constant 0 : i32
    %dma_wait3A_128 = arith.constant 0 : i32
    %dma_wait3A_129 = arith.constant 0 : i32
    %dma_wait3A_130 = tpu.memref_slice %arg3[%dma_wait3A, %dma_wait3A_128, %dma_wait3A_129] : memref<13x32x128xf32, #tpu.memory_space<vmem_shared>> -> memref<1x32x128xf32, #tpu.memory_space<vmem_shared>>
    %dma_wait3A_131 = tpu.memref_squeeze %dma_wait3A_130 : memref<1x32x128xf32, #tpu.memory_space<vmem_shared>> -> memref<32x128xf32, #tpu.memory_space<vmem_shared>>
    %dma_wait3A_132 = tpu.memref_reshape %dma_wait3A_131 : memref<32x128xf32, #tpu.memory_space<vmem_shared>> -> memref<1x4096xf32, #tpu.memory_space<vmem_shared>>
    %dma_wait3A_133 = arith.constant 0 : i32
    %dma_wait3A_134 = tpu.memref_slice %arg1[%dma_wait3A_133, %mul3A_0] : memref<13x8192xf32, #tpu.memory_space<hbm>> -> memref<1x4096xf32, #tpu.memory_space<hbm>>
    tpu.wait_dma2 semaphore(%arg4 : memref<!tpu.dma_semaphore, #tpu.memory_space<semaphore_mem>>) src(%dma_wait3A_134 : memref<1x4096xf32, #tpu.memory_space<hbm>>) dst(%dma_wait3A_132 : memref<1x4096xf32, #tpu.memory_space<vmem_shared>>)
    %mul3A_135 = arith.constant 32 : i32
    %mul3A_136 = arith.muli %arg0, %mul3A_135 : i32
    %dma_start3A_137 = arith.constant 0 : i32
    %dma_start3A_138 = arith.constant 0 : i32
    %dma_start3A_139 = arith.constant 0 : i32
    %dma_start3A_140 = arith.constant 0 : i32
    %dma_start3A_141 = tpu.memref_slice %arg2[%dma_start3A_138, %mul3A_136, %dma_start3A_139, %dma_start3A_140] : memref<13x64x4x128xf32, #tpu.memory_space<hbm>> -> memref<1x32x1x128xf32, #tpu.memory_space<hbm>>
    %dma_start3A_142 = tpu.memref_squeeze %dma_start3A_141 : memref<1x32x1x128xf32, #tpu.memory_space<hbm>> -> memref<32x128xf32, #tpu.memory_space<hbm>>
    %dma_start3A_143 = arith.constant 0 : i32
    %dma_start3A_144 = arith.constant 0 : i32
    %dma_start3A_145 = tpu.memref_slice %arg3[%dma_start3A_137, %dma_start3A_143, %dma_start3A_144] : memref<13x32x128xf32, #tpu.memory_space<vmem_shared>> -> memref<1x32x128xf32, #tpu.memory_space<vmem_shared>>
    %dma_start3A_146 = tpu.memref_squeeze %dma_start3A_145 : memref<1x32x128xf32, #tpu.memory_space<vmem_shared>> -> memref<32x128xf32, #tpu.memory_space<vmem_shared>>
    tpu.enqueue_dma source(%dma_start3A_146 : memref<32x128xf32, #tpu.memory_space<vmem_shared>>) target(%dma_start3A_142 : memref<32x128xf32, #tpu.memory_space<hbm>>) target_semaphore(%arg5 : memref<!tpu.dma_semaphore, #tpu.memory_space<semaphore_mem>>)
    %mul3A_147 = arith.constant 32 : i32
    %mul3A_148 = arith.muli %arg0, %mul3A_147 : i32
    %dma_start3A_149 = arith.constant 0 : i32
    %dma_start3A_150 = arith.constant 0 : i32
    %dma_start3A_151 = arith.constant 1 : i32
    %dma_start3A_152 = arith.constant 0 : i32
    %dma_start3A_153 = tpu.memref_slice %arg2[%dma_start3A_150, %mul3A_148, %dma_start3A_151, %dma_start3A_152] : memref<13x64x4x128xf32, #tpu.memory_space<hbm>> -> memref<1x32x1x128xf32, #tpu.memory_space<hbm>>
    %dma_start3A_154 = tpu.memref_squeeze %dma_start3A_153 : memref<1x32x1x128xf32, #tpu.memory_space<hbm>> -> memref<32x128xf32, #tpu.memory_space<hbm>>
    %dma_start3A_155 = arith.constant 0 : i32
    %dma_start3A_156 = arith.constant 0 : i32
    %dma_start3A_157 = tpu.memref_slice %arg3[%dma_start3A_149, %dma_start3A_155, %dma_start3A_156] : memref<13x32x128xf32, #tpu.memory_space<vmem_shared>> -> memref<1x32x128xf32, #tpu.memory_space<vmem_shared>>
    %dma_start3A_158 = tpu.memref_squeeze %dma_start3A_157 : memref<1x32x128xf32, #tpu.memory_space<vmem_shared>> -> memref<32x128xf32, #tpu.memory_space<vmem_shared>>
    tpu.enqueue_dma source(%dma_start3A_158 : memref<32x128xf32, #tpu.memory_space<vmem_shared>>) target(%dma_start3A_154 : memref<32x128xf32, #tpu.memory_space<hbm>>) target_semaphore(%arg5 : memref<!tpu.dma_semaphore, #tpu.memory_space<semaphore_mem>>)
    %mul3A_159 = arith.constant 32 : i32
    %mul3A_160 = arith.muli %arg0, %mul3A_159 : i32
    %dma_start3A_161 = arith.constant 0 : i32
    %dma_start3A_162 = arith.constant 0 : i32
    %dma_start3A_163 = arith.constant 2 : i32
    %dma_start3A_164 = arith.constant 0 : i32
    %dma_start3A_165 = tpu.memref_slice %arg2[%dma_start3A_162, %mul3A_160, %dma_start3A_163, %dma_start3A_164] : memref<13x64x4x128xf32, #tpu.memory_space<hbm>> -> memref<1x32x1x128xf32, #tpu.memory_space<hbm>>
    %dma_start3A_166 = tpu.memref_squeeze %dma_start3A_165 : memref<1x32x1x128xf32, #tpu.memory_space<hbm>> -> memref<32x128xf32, #tpu.memory_space<hbm>>
    %dma_start3A_167 = arith.constant 0 : i32
    %dma_start3A_168 = arith.constant 0 : i32
    %dma_start3A_169 = tpu.memref_slice %arg3[%dma_start3A_161, %dma_start3A_167, %dma_start3A_168] : memref<13x32x128xf32, #tpu.memory_space<vmem_shared>> -> memref<1x32x128xf32, #tpu.memory_space<vmem_shared>>
    %dma_start3A_170 = tpu.memref_squeeze %dma_start3A_169 : memref<1x32x128xf32, #tpu.memory_space<vmem_shared>> -> memref<32x128xf32, #tpu.memory_space<vmem_shared>>
    tpu.enqueue_dma source(%dma_start3A_170 : memref<32x128xf32, #tpu.memory_space<vmem_shared>>) target(%dma_start3A_166 : memref<32x128xf32, #tpu.memory_space<hbm>>) target_semaphore(%arg5 : memref<!tpu.dma_semaphore, #tpu.memory_space<semaphore_mem>>)
    %mul3A_171 = arith.constant 32 : i32
    %mul3A_172 = arith.muli %arg0, %mul3A_171 : i32
    %dma_start3A_173 = arith.constant 0 : i32
    %dma_start3A_174 = arith.constant 0 : i32
    %dma_start3A_175 = arith.constant 3 : i32
    %dma_start3A_176 = arith.constant 0 : i32
    %dma_start3A_177 = tpu.memref_slice %arg2[%dma_start3A_174, %mul3A_172, %dma_start3A_175, %dma_start3A_176] : memref<13x64x4x128xf32, #tpu.memory_space<hbm>> -> memref<1x32x1x128xf32, #tpu.memory_space<hbm>>
    %dma_start3A_178 = tpu.memref_squeeze %dma_start3A_177 : memref<1x32x1x128xf32, #tpu.memory_space<hbm>> -> memref<32x128xf32, #tpu.memory_space<hbm>>
    %dma_start3A_179 = arith.constant 0 : i32
    %dma_start3A_180 = arith.constant 0 : i32
    %dma_start3A_181 = tpu.memref_slice %arg3[%dma_start3A_173, %dma_start3A_179, %dma_start3A_180] : memref<13x32x128xf32, #tpu.memory_space<vmem_shared>> -> memref<1x32x128xf32, #tpu.memory_space<vmem_shared>>
    %dma_start3A_182 = tpu.memref_squeeze %dma_start3A_181 : memref<1x32x128xf32, #tpu.memory_space<vmem_shared>> -> memref<32x128xf32, #tpu.memory_space<vmem_shared>>
    tpu.enqueue_dma source(%dma_start3A_182 : memref<32x128xf32, #tpu.memory_space<vmem_shared>>) target(%dma_start3A_178 : memref<32x128xf32, #tpu.memory_space<hbm>>) target_semaphore(%arg5 : memref<!tpu.dma_semaphore, #tpu.memory_space<semaphore_mem>>)
    %dma_wait3A_183 = arith.constant 1 : i32
    %dma_wait3A_184 = arith.constant 0 : i32
    %dma_wait3A_185 = arith.constant 0 : i32
    %dma_wait3A_186 = tpu.memref_slice %arg3[%dma_wait3A_183, %dma_wait3A_184, %dma_wait3A_185] : memref<13x32x128xf32, #tpu.memory_space<vmem_shared>> -> memref<1x32x128xf32, #tpu.memory_space<vmem_shared>>
    %dma_wait3A_187 = tpu.memref_squeeze %dma_wait3A_186 : memref<1x32x128xf32, #tpu.memory_space<vmem_shared>> -> memref<32x128xf32, #tpu.memory_space<vmem_shared>>
    %dma_wait3A_188 = tpu.memref_reshape %dma_wait3A_187 : memref<32x128xf32, #tpu.memory_space<vmem_shared>> -> memref<1x4096xf32, #tpu.memory_space<vmem_shared>>
    %dma_wait3A_189 = arith.constant 1 : i32
    %dma_wait3A_190 = tpu.memref_slice %arg1[%dma_wait3A_189, %mul3A_9] : memref<13x8192xf32, #tpu.memory_space<hbm>> -> memref<1x4096xf32, #tpu.memory_space<hbm>>
    tpu.wait_dma2 semaphore(%arg4 : memref<!tpu.dma_semaphore, #tpu.memory_space<semaphore_mem>>) src(%dma_wait3A_190 : memref<1x4096xf32, #tpu.memory_space<hbm>>) dst(%dma_wait3A_188 : memref<1x4096xf32, #tpu.memory_space<vmem_shared>>)
    %mul3A_191 = arith.constant 32 : i32
    %mul3A_192 = arith.muli %arg0, %mul3A_191 : i32
    %dma_start3A_193 = arith.constant 1 : i32
    %dma_start3A_194 = arith.constant 1 : i32
    %dma_start3A_195 = arith.constant 0 : i32
    %dma_start3A_196 = arith.constant 0 : i32
    %dma_start3A_197 = tpu.memref_slice %arg2[%dma_start3A_194, %mul3A_192, %dma_start3A_195, %dma_start3A_196] : memref<13x64x4x128xf32, #tpu.memory_space<hbm>> -> memref<1x32x1x128xf32, #tpu.memory_space<hbm>>
    %dma_start3A_198 = tpu.memref_squeeze %dma_start3A_197 : memref<1x32x1x128xf32, #tpu.memory_space<hbm>> -> memref<32x128xf32, #tpu.memory_space<hbm>>
    %dma_start3A_199 = arith.constant 0 : i32
    %dma_start3A_200 = arith.constant 0 : i32
    %dma_start3A_201 = tpu.memref_slice %arg3[%dma_start3A_193, %dma_start3A_199, %dma_start3A_200] : memref<13x32x128xf32, #tpu.memory_space<vmem_shared>> -> memref<1x32x128xf32, #tpu.memory_space<vmem_shared>>
    %dma_start3A_202 = tpu.memref_squeeze %dma_start3A_201 : memref<1x32x128xf32, #tpu.memory_space<vmem_shared>> -> memref<32x128xf32, #tpu.memory_space<vmem_shared>>
    tpu.enqueue_dma source(%dma_start3A_202 : memref<32x128xf32, #tpu.memory_space<vmem_shared>>) target(%dma_start3A_198 : memref<32x128xf32, #tpu.memory_space<hbm>>) target_semaphore(%arg5 : memref<!tpu.dma_semaphore, #tpu.memory_space<semaphore_mem>>)
    %mul3A_203 = arith.constant 32 : i32
    %mul3A_204 = arith.muli %arg0, %mul3A_203 : i32
    %dma_start3A_205 = arith.constant 1 : i32
    %dma_start3A_206 = arith.constant 1 : i32
    %dma_start3A_207 = arith.constant 1 : i32
    %dma_start3A_208 = arith.constant 0 : i32
    %dma_start3A_209 = tpu.memref_slice %arg2[%dma_start3A_206, %mul3A_204, %dma_start3A_207, %dma_start3A_208] : memref<13x64x4x128xf32, #tpu.memory_space<hbm>> -> memref<1x32x1x128xf32, #tpu.memory_space<hbm>>
    %dma_start3A_210 = tpu.memref_squeeze %dma_start3A_209 : memref<1x32x1x128xf32, #tpu.memory_space<hbm>> -> memref<32x128xf32, #tpu.memory_space<hbm>>
    %dma_start3A_211 = arith.constant 0 : i32
    %dma_start3A_212 = arith.constant 0 : i32
    %dma_start3A_213 = tpu.memref_slice %arg3[%dma_start3A_205, %dma_start3A_211, %dma_start3A_212] : memref<13x32x128xf32, #tpu.memory_space<vmem_shared>> -> memref<1x32x128xf32, #tpu.memory_space<vmem_shared>>
    %dma_start3A_214 = tpu.memref_squeeze %dma_start3A_213 : memref<1x32x128xf32, #tpu.memory_space<vmem_shared>> -> memref<32x128xf32, #tpu.memory_space<vmem_shared>>
    tpu.enqueue_dma source(%dma_start3A_214 : memref<32x128xf32, #tpu.memory_space<vmem_shared>>) target(%dma_start3A_210 : memref<32x128xf32, #tpu.memory_space<hbm>>) target_semaphore(%arg5 : memref<!tpu.dma_semaphore, #tpu.memory_space<semaphore_mem>>)
    %mul3A_215 = arith.constant 32 : i32
    %mul3A_216 = arith.muli %arg0, %mul3A_215 : i32
    %dma_start3A_217 = arith.constant 1 : i32
    %dma_start3A_218 = arith.constant 1 : i32
    %dma_start3A_219 = arith.constant 2 : i32
    %dma_start3A_220 = arith.constant 0 : i32
    %dma_start3A_221 = tpu.memref_slice %arg2[%dma_start3A_218, %mul3A_216, %dma_start3A_219, %dma_start3A_220] : memref<13x64x4x128xf32, #tpu.memory_space<hbm>> -> memref<1x32x1x128xf32, #tpu.memory_space<hbm>>
    %dma_start3A_222 = tpu.memref_squeeze %dma_start3A_221 : memref<1x32x1x128xf32, #tpu.memory_space<hbm>> -> memref<32x128xf32, #tpu.memory_space<hbm>>
    %dma_start3A_223 = arith.constant 0 : i32
    %dma_start3A_224 = arith.constant 0 : i32
    %dma_start3A_225 = tpu.memref_slice %arg3[%dma_start3A_217, %dma_start3A_223, %dma_start3A_224] : memref<13x32x128xf32, #tpu.memory_space<vmem_shared>> -> memref<1x32x128xf32, #tpu.memory_space<vmem_shared>>
    %dma_start3A_226 = tpu.memref_squeeze %dma_start3A_225 : memref<1x32x128xf32, #tpu.memory_space<vmem_shared>> -> memref<32x128xf32, #tpu.memory_space<vmem_shared>>
    tpu.enqueue_dma source(%dma_start3A_226 : memref<32x128xf32, #tpu.memory_space<vmem_shared>>) target(%dma_start3A_222 : memref<32x128xf32, #tpu.memory_space<hbm>>) target_semaphore(%arg5 : memref<!tpu.dma_semaphore, #tpu.memory_space<semaphore_mem>>)
    %mul3A_227 = arith.constant 32 : i32
    %mul3A_228 = arith.muli %arg0, %mul3A_227 : i32
    %dma_start3A_229 = arith.constant 1 : i32
    %dma_start3A_230 = arith.constant 1 : i32
    %dma_start3A_231 = arith.constant 3 : i32
    %dma_start3A_232 = arith.constant 0 : i32
    %dma_start3A_233 = tpu.memref_slice %arg2[%dma_start3A_230, %mul3A_228, %dma_start3A_231, %dma_start3A_232] : memref<13x64x4x128xf32, #tpu.memory_space<hbm>> -> memref<1x32x1x128xf32, #tpu.memory_space<hbm>>
    %dma_start3A_234 = tpu.memref_squeeze %dma_start3A_233 : memref<1x32x1x128xf32, #tpu.memory_space<hbm>> -> memref<32x128xf32, #tpu.memory_space<hbm>>
    %dma_start3A_235 = arith.constant 0 : i32
    %dma_start3A_236 = arith.constant 0 : i32
    %dma_start3A_237 = tpu.memref_slice %arg3[%dma_start3A_229, %dma_start3A_235, %dma_start3A_236] : memref<13x32x128xf32, #tpu.memory_space<vmem_shared>> -> memref<1x32x128xf32, #tpu.memory_space<vmem_shared>>
    %dma_start3A_238 = tpu.memref_squeeze %dma_start3A_237 : memref<1x32x128xf32, #tpu.memory_space<vmem_shared>> -> memref<32x128xf32, #tpu.memory_space<vmem_shared>>
    tpu.enqueue_dma source(%dma_start3A_238 : memref<32x128xf32, #tpu.memory_space<vmem_shared>>) target(%dma_start3A_234 : memref<32x128xf32, #tpu.memory_space<hbm>>) target_semaphore(%arg5 : memref<!tpu.dma_semaphore, #tpu.memory_space<semaphore_mem>>)
    %dma_wait3A_239 = arith.constant 2 : i32
    %dma_wait3A_240 = arith.constant 0 : i32
    %dma_wait3A_241 = arith.constant 0 : i32
    %dma_wait3A_242 = tpu.memref_slice %arg3[%dma_wait3A_239, %dma_wait3A_240, %dma_wait3A_241] : memref<13x32x128xf32, #tpu.memory_space<vmem_shared>> -> memref<1x32x128xf32, #tpu.memory_space<vmem_shared>>
    %dma_wait3A_243 = tpu.memref_squeeze %dma_wait3A_242 : memref<1x32x128xf32, #tpu.memory_space<vmem_shared>> -> memref<32x128xf32, #tpu.memory_space<vmem_shared>>
    %dma_wait3A_244 = tpu.memref_reshape %dma_wait3A_243 : memref<32x128xf32, #tpu.memory_space<vmem_shared>> -> memref<1x4096xf32, #tpu.memory_space<vmem_shared>>
    %dma_wait3A_245 = arith.constant 2 : i32
    %dma_wait3A_246 = tpu.memref_slice %arg1[%dma_wait3A_245, %mul3A_19] : memref<13x8192xf32, #tpu.memory_space<hbm>> -> memref<1x4096xf32, #tpu.memory_space<hbm>>
    tpu.wait_dma2 semaphore(%arg4 : memref<!tpu.dma_semaphore, #tpu.memory_space<semaphore_mem>>) src(%dma_wait3A_246 : memref<1x4096xf32, #tpu.memory_space<hbm>>) dst(%dma_wait3A_244 : memref<1x4096xf32, #tpu.memory_space<vmem_shared>>)
    %mul3A_247 = arith.constant 32 : i32
    %mul3A_248 = arith.muli %arg0, %mul3A_247 : i32
    %dma_start3A_249 = arith.constant 2 : i32
    %dma_start3A_250 = arith.constant 2 : i32
    %dma_start3A_251 = arith.constant 0 : i32
    %dma_start3A_252 = arith.constant 0 : i32
    %dma_start3A_253 = tpu.memref_slice %arg2[%dma_start3A_250, %mul3A_248, %dma_start3A_251, %dma_start3A_252] : memref<13x64x4x128xf32, #tpu.memory_space<hbm>> -> memref<1x32x1x128xf32, #tpu.memory_space<hbm>>
    %dma_start3A_254 = tpu.memref_squeeze %dma_start3A_253 : memref<1x32x1x128xf32, #tpu.memory_space<hbm>> -> memref<32x128xf32, #tpu.memory_space<hbm>>
    %dma_start3A_255 = arith.constant 0 : i32
    %dma_start3A_256 = arith.constant 0 : i32
    %dma_start3A_257 = tpu.memref_slice %arg3[%dma_start3A_249, %dma_start3A_255, %dma_start3A_256] : memref<13x32x128xf32, #tpu.memory_space<vmem_shared>> -> memref<1x32x128xf32, #tpu.memory_space<vmem_shared>>
    %dma_start3A_258 = tpu.memref_squeeze %dma_start3A_257 : memref<1x32x128xf32, #tpu.memory_space<vmem_shared>> -> memref<32x128xf32, #tpu.memory_space<vmem_shared>>
    tpu.enqueue_dma source(%dma_start3A_258 : memref<32x128xf32, #tpu.memory_space<vmem_shared>>) target(%dma_start3A_254 : memref<32x128xf32, #tpu.memory_space<hbm>>) target_semaphore(%arg5 : memref<!tpu.dma_semaphore, #tpu.memory_space<semaphore_mem>>)
    %mul3A_259 = arith.constant 32 : i32
    %mul3A_260 = arith.muli %arg0, %mul3A_259 : i32
    %dma_start3A_261 = arith.constant 2 : i32
    %dma_start3A_262 = arith.constant 2 : i32
    %dma_start3A_263 = arith.constant 1 : i32
    %dma_start3A_264 = arith.constant 0 : i32
    %dma_start3A_265 = tpu.memref_slice %arg2[%dma_start3A_262, %mul3A_260, %dma_start3A_263, %dma_start3A_264] : memref<13x64x4x128xf32, #tpu.memory_space<hbm>> -> memref<1x32x1x128xf32, #tpu.memory_space<hbm>>
    %dma_start3A_266 = tpu.memref_squeeze %dma_start3A_265 : memref<1x32x1x128xf32, #tpu.memory_space<hbm>> -> memref<32x128xf32, #tpu.memory_space<hbm>>
    %dma_start3A_267 = arith.constant 0 : i32
    %dma_start3A_268 = arith.constant 0 : i32
    %dma_start3A_269 = tpu.memref_slice %arg3[%dma_start3A_261, %dma_start3A_267, %dma_start3A_268] : memref<13x32x128xf32, #tpu.memory_space<vmem_shared>> -> memref<1x32x128xf32, #tpu.memory_space<vmem_shared>>
    %dma_start3A_270 = tpu.memref_squeeze %dma_start3A_269 : memref<1x32x128xf32, #tpu.memory_space<vmem_shared>> -> memref<32x128xf32, #tpu.memory_space<vmem_shared>>
    tpu.enqueue_dma source(%dma_start3A_270 : memref<32x128xf32, #tpu.memory_space<vmem_shared>>) target(%dma_start3A_266 : memref<32x128xf32, #tpu.memory_space<hbm>>) target_semaphore(%arg5 : memref<!tpu.dma_semaphore, #tpu.memory_space<semaphore_mem>>)
    %mul3A_271 = arith.constant 32 : i32
    %mul3A_272 = arith.muli %arg0, %mul3A_271 : i32
    %dma_start3A_273 = arith.constant 2 : i32
    %dma_start3A_274 = arith.constant 2 : i32
    %dma_start3A_275 = arith.constant 2 : i32
    %dma_start3A_276 = arith.constant 0 : i32
    %dma_start3A_277 = tpu.memref_slice %arg2[%dma_start3A_274, %mul3A_272, %dma_start3A_275, %dma_start3A_276] : memref<13x64x4x128xf32, #tpu.memory_space<hbm>> -> memref<1x32x1x128xf32, #tpu.memory_space<hbm>>
    %dma_start3A_278 = tpu.memref_squeeze %dma_start3A_277 : memref<1x32x1x128xf32, #tpu.memory_space<hbm>> -> memref<32x128xf32, #tpu.memory_space<hbm>>
    %dma_start3A_279 = arith.constant 0 : i32
    %dma_start3A_280 = arith.constant 0 : i32
    %dma_start3A_281 = tpu.memref_slice %arg3[%dma_start3A_273, %dma_start3A_279, %dma_start3A_280] : memref<13x32x128xf32, #tpu.memory_space<vmem_shared>> -> memref<1x32x128xf32, #tpu.memory_space<vmem_shared>>
    %dma_start3A_282 = tpu.memref_squeeze %dma_start3A_281 : memref<1x32x128xf32, #tpu.memory_space<vmem_shared>> -> memref<32x128xf32, #tpu.memory_space<vmem_shared>>
    tpu.enqueue_dma source(%dma_start3A_282 : memref<32x128xf32, #tpu.memory_space<vmem_shared>>) target(%dma_start3A_278 : memref<32x128xf32, #tpu.memory_space<hbm>>) target_semaphore(%arg5 : memref<!tpu.dma_semaphore, #tpu.memory_space<semaphore_mem>>)
    %mul3A_283 = arith.constant 32 : i32
    %mul3A_284 = arith.muli %arg0, %mul3A_283 : i32
    %dma_start3A_285 = arith.constant 2 : i32
    %dma_start3A_286 = arith.constant 2 : i32
    %dma_start3A_287 = arith.constant 3 : i32
    %dma_start3A_288 = arith.constant 0 : i32
    %dma_start3A_289 = tpu.memref_slice %arg2[%dma_start3A_286, %mul3A_284, %dma_start3A_287, %dma_start3A_288] : memref<13x64x4x128xf32, #tpu.memory_space<hbm>> -> memref<1x32x1x128xf32, #tpu.memory_space<hbm>>
    %dma_start3A_290 = tpu.memref_squeeze %dma_start3A_289 : memref<1x32x1x128xf32, #tpu.memory_space<hbm>> -> memref<32x128xf32, #tpu.memory_space<hbm>>
    %dma_start3A_291 = arith.constant 0 : i32
    %dma_start3A_292 = arith.constant 0 : i32
    %dma_start3A_293 = tpu.memref_slice %arg3[%dma_start3A_285, %dma_start3A_291, %dma_start3A_292] : memref<13x32x128xf32, #tpu.memory_space<vmem_shared>> -> memref<1x32x128xf32, #tpu.memory_space<vmem_shared>>
    %dma_start3A_294 = tpu.memref_squeeze %dma_start3A_293 : memref<1x32x128xf32, #tpu.memory_space<vmem_shared>> -> memref<32x128xf32, #tpu.memory_space<vmem_shared>>
    tpu.enqueue_dma source(%dma_start3A_294 : memref<32x128xf32, #tpu.memory_space<vmem_shared>>) target(%dma_start3A_290 : memref<32x128xf32, #tpu.memory_space<hbm>>) target_semaphore(%arg5 : memref<!tpu.dma_semaphore, #tpu.memory_space<semaphore_mem>>)
    %dma_wait3A_295 = arith.constant 3 : i32
    %dma_wait3A_296 = arith.constant 0 : i32
    %dma_wait3A_297 = arith.constant 0 : i32
    %dma_wait3A_298 = tpu.memref_slice %arg3[%dma_wait3A_295, %dma_wait3A_296, %dma_wait3A_297] : memref<13x32x128xf32, #tpu.memory_space<vmem_shared>> -> memref<1x32x128xf32, #tpu.memory_space<vmem_shared>>
    %dma_wait3A_299 = tpu.memref_squeeze %dma_wait3A_298 : memref<1x32x128xf32, #tpu.memory_space<vmem_shared>> -> memref<32x128xf32, #tpu.memory_space<vmem_shared>>
    %dma_wait3A_300 = tpu.memref_reshape %dma_wait3A_299 : memref<32x128xf32, #tpu.memory_space<vmem_shared>> -> memref<1x4096xf32, #tpu.memory_space<vmem_shared>>
    %dma_wait3A_301 = arith.constant 3 : i32
    %dma_wait3A_302 = tpu.memref_slice %arg1[%dma_wait3A_301, %mul3A_29] : memref<13x8192xf32, #tpu.memory_space<hbm>> -> memref<1x4096xf32, #tpu.memory_space<hbm>>
    tpu.wait_dma2 semaphore(%arg4 : memref<!tpu.dma_semaphore, #tpu.memory_space<semaphore_mem>>) src(%dma_wait3A_302 : memref<1x4096xf32, #tpu.memory_space<hbm>>) dst(%dma_wait3A_300 : memref<1x4096xf32, #tpu.memory_space<vmem_shared>>)
    %mul3A_303 = arith.constant 32 : i32
    %mul3A_304 = arith.muli %arg0, %mul3A_303 : i32
    %dma_start3A_305 = arith.constant 3 : i32
    %dma_start3A_306 = arith.constant 3 : i32
    %dma_start3A_307 = arith.constant 0 : i32
    %dma_start3A_308 = arith.constant 0 : i32
    %dma_start3A_309 = tpu.memref_slice %arg2[%dma_start3A_306, %mul3A_304, %dma_start3A_307, %dma_start3A_308] : memref<13x64x4x128xf32, #tpu.memory_space<hbm>> -> memref<1x32x1x128xf32, #tpu.memory_space<hbm>>
    %dma_start3A_310 = tpu.memref_squeeze %dma_start3A_309 : memref<1x32x1x128xf32, #tpu.memory_space<hbm>> -> memref<32x128xf32, #tpu.memory_space<hbm>>
    %dma_start3A_311 = arith.constant 0 : i32
    %dma_start3A_312 = arith.constant 0 : i32
    %dma_start3A_313 = tpu.memref_slice %arg3[%dma_start3A_305, %dma_start3A_311, %dma_start3A_312] : memref<13x32x128xf32, #tpu.memory_space<vmem_shared>> -> memref<1x32x128xf32, #tpu.memory_space<vmem_shared>>
    %dma_start3A_314 = tpu.memref_squeeze %dma_start3A_313 : memref<1x32x128xf32, #tpu.memory_space<vmem_shared>> -> memref<32x128xf32, #tpu.memory_space<vmem_shared>>
    tpu.enqueue_dma source(%dma_start3A_314 : memref<32x128xf32, #tpu.memory_space<vmem_shared>>) target(%dma_start3A_310 : memref<32x128xf32, #tpu.memory_space<hbm>>) target_semaphore(%arg5 : memref<!tpu.dma_semaphore, #tpu.memory_space<semaphore_mem>>)
    %mul3A_315 = arith.constant 32 : i32
    %mul3A_316 = arith.muli %arg0, %mul3A_315 : i32
    %dma_start3A_317 = arith.constant 3 : i32
    %dma_start3A_318 = arith.constant 3 : i32
    %dma_start3A_319 = arith.constant 1 : i32
    %dma_start3A_320 = arith.constant 0 : i32
    %dma_start3A_321 = tpu.memref_slice %arg2[%dma_start3A_318, %mul3A_316, %dma_start3A_319, %dma_start3A_320] : memref<13x64x4x128xf32, #tpu.memory_space<hbm>> -> memref<1x32x1x128xf32, #tpu.memory_space<hbm>>
    %dma_start3A_322 = tpu.memref_squeeze %dma_start3A_321 : memref<1x32x1x128xf32, #tpu.memory_space<hbm>> -> memref<32x128xf32, #tpu.memory_space<hbm>>
    %dma_start3A_323 = arith.constant 0 : i32
    %dma_start3A_324 = arith.constant 0 : i32
    %dma_start3A_325 = tpu.memref_slice %arg3[%dma_start3A_317, %dma_start3A_323, %dma_start3A_324] : memref<13x32x128xf32, #tpu.memory_space<vmem_shared>> -> memref<1x32x128xf32, #tpu.memory_space<vmem_shared>>
    %dma_start3A_326 = tpu.memref_squeeze %dma_start3A_325 : memref<1x32x128xf32, #tpu.memory_space<vmem_shared>> -> memref<32x128xf32, #tpu.memory_space<vmem_shared>>
    tpu.enqueue_dma source(%dma_start3A_326 : memref<32x128xf32, #tpu.memory_space<vmem_shared>>) target(%dma_start3A_322 : memref<32x128xf32, #tpu.memory_space<hbm>>) target_semaphore(%arg5 : memref<!tpu.dma_semaphore, #tpu.memory_space<semaphore_mem>>)
    %mul3A_327 = arith.constant 32 : i32
    %mul3A_328 = arith.muli %arg0, %mul3A_327 : i32
    %dma_start3A_329 = arith.constant 3 : i32
    %dma_start3A_330 = arith.constant 3 : i32
    %dma_start3A_331 = arith.constant 2 : i32
    %dma_start3A_332 = arith.constant 0 : i32
    %dma_start3A_333 = tpu.memref_slice %arg2[%dma_start3A_330, %mul3A_328, %dma_start3A_331, %dma_start3A_332] : memref<13x64x4x128xf32, #tpu.memory_space<hbm>> -> memref<1x32x1x128xf32, #tpu.memory_space<hbm>>
    %dma_start3A_334 = tpu.memref_squeeze %dma_start3A_333 : memref<1x32x1x128xf32, #tpu.memory_space<hbm>> -> memref<32x128xf32, #tpu.memory_space<hbm>>
    %dma_start3A_335 = arith.constant 0 : i32
    %dma_start3A_336 = arith.constant 0 : i32
    %dma_start3A_337 = tpu.memref_slice %arg3[%dma_start3A_329, %dma_start3A_335, %dma_start3A_336] : memref<13x32x128xf32, #tpu.memory_space<vmem_shared>> -> memref<1x32x128xf32, #tpu.memory_space<vmem_shared>>
    %dma_start3A_338 = tpu.memref_squeeze %dma_start3A_337 : memref<1x32x128xf32, #tpu.memory_space<vmem_shared>> -> memref<32x128xf32, #tpu.memory_space<vmem_shared>>
    tpu.enqueue_dma source(%dma_start3A_338 : memref<32x128xf32, #tpu.memory_space<vmem_shared>>) target(%dma_start3A_334 : memref<32x128xf32, #tpu.memory_space<hbm>>) target_semaphore(%arg5 : memref<!tpu.dma_semaphore, #tpu.memory_space<semaphore_mem>>)
    %mul3A_339 = arith.constant 32 : i32
    %mul3A_340 = arith.muli %arg0, %mul3A_339 : i32
    %dma_start3A_341 = arith.constant 3 : i32
    %dma_start3A_342 = arith.constant 3 : i32
    %dma_start3A_343 = arith.constant 3 : i32
    %dma_start3A_344 = arith.constant 0 : i32
    %dma_start3A_345 = tpu.memref_slice %arg2[%dma_start3A_342, %mul3A_340, %dma_start3A_343, %dma_start3A_344] : memref<13x64x4x128xf32, #tpu.memory_space<hbm>> -> memref<1x32x1x128xf32, #tpu.memory_space<hbm>>
    %dma_start3A_346 = tpu.memref_squeeze %dma_start3A_345 : memref<1x32x1x128xf32, #tpu.memory_space<hbm>> -> memref<32x128xf32, #tpu.memory_space<hbm>>
    %dma_start3A_347 = arith.constant 0 : i32
    %dma_start3A_348 = arith.constant 0 : i32
    %dma_start3A_349 = tpu.memref_slice %arg3[%dma_start3A_341, %dma_start3A_347, %dma_start3A_348] : memref<13x32x128xf32, #tpu.memory_space<vmem_shared>> -> memref<1x32x128xf32, #tpu.memory_space<vmem_shared>>
    %dma_start3A_350 = tpu.memref_squeeze %dma_start3A_349 : memref<1x32x128xf32, #tpu.memory_space<vmem_shared>> -> memref<32x128xf32, #tpu.memory_space<vmem_shared>>
    tpu.enqueue_dma source(%dma_start3A_350 : memref<32x128xf32, #tpu.memory_space<vmem_shared>>) target(%dma_start3A_346 : memref<32x128xf32, #tpu.memory_space<hbm>>) target_semaphore(%arg5 : memref<!tpu.dma_semaphore, #tpu.memory_space<semaphore_mem>>)
    %dma_wait3A_351 = arith.constant 4 : i32
    %dma_wait3A_352 = arith.constant 0 : i32
    %dma_wait3A_353 = arith.constant 0 : i32
    %dma_wait3A_354 = tpu.memref_slice %arg3[%dma_wait3A_351, %dma_wait3A_352, %dma_wait3A_353] : memref<13x32x128xf32, #tpu.memory_space<vmem_shared>> -> memref<1x32x128xf32, #tpu.memory_space<vmem_shared>>
    %dma_wait3A_355 = tpu.memref_squeeze %dma_wait3A_354 : memref<1x32x128xf32, #tpu.memory_space<vmem_shared>> -> memref<32x128xf32, #tpu.memory_space<vmem_shared>>
    %dma_wait3A_356 = tpu.memref_reshape %dma_wait3A_355 : memref<32x128xf32, #tpu.memory_space<vmem_shared>> -> memref<1x4096xf32, #tpu.memory_space<vmem_shared>>
    %dma_wait3A_357 = arith.constant 4 : i32
    %dma_wait3A_358 = tpu.memref_slice %arg1[%dma_wait3A_357, %mul3A_39] : memref<13x8192xf32, #tpu.memory_space<hbm>> -> memref<1x4096xf32, #tpu.memory_space<hbm>>
    tpu.wait_dma2 semaphore(%arg4 : memref<!tpu.dma_semaphore, #tpu.memory_space<semaphore_mem>>) src(%dma_wait3A_358 : memref<1x4096xf32, #tpu.memory_space<hbm>>) dst(%dma_wait3A_356 : memref<1x4096xf32, #tpu.memory_space<vmem_shared>>)
    %mul3A_359 = arith.constant 32 : i32
    %mul3A_360 = arith.muli %arg0, %mul3A_359 : i32
    %dma_start3A_361 = arith.constant 4 : i32
    %dma_start3A_362 = arith.constant 4 : i32
    %dma_start3A_363 = arith.constant 0 : i32
    %dma_start3A_364 = arith.constant 0 : i32
    %dma_start3A_365 = tpu.memref_slice %arg2[%dma_start3A_362, %mul3A_360, %dma_start3A_363, %dma_start3A_364] : memref<13x64x4x128xf32, #tpu.memory_space<hbm>> -> memref<1x32x1x128xf32, #tpu.memory_space<hbm>>
    %dma_start3A_366 = tpu.memref_squeeze %dma_start3A_365 : memref<1x32x1x128xf32, #tpu.memory_space<hbm>> -> memref<32x128xf32, #tpu.memory_space<hbm>>
    %dma_start3A_367 = arith.constant 0 : i32
    %dma_start3A_368 = arith.constant 0 : i32
    %dma_start3A_369 = tpu.memref_slice %arg3[%dma_start3A_361, %dma_start3A_367, %dma_start3A_368] : memref<13x32x128xf32, #tpu.memory_space<vmem_shared>> -> memref<1x32x128xf32, #tpu.memory_space<vmem_shared>>
    %dma_start3A_370 = tpu.memref_squeeze %dma_start3A_369 : memref<1x32x128xf32, #tpu.memory_space<vmem_shared>> -> memref<32x128xf32, #tpu.memory_space<vmem_shared>>
    tpu.enqueue_dma source(%dma_start3A_370 : memref<32x128xf32, #tpu.memory_space<vmem_shared>>) target(%dma_start3A_366 : memref<32x128xf32, #tpu.memory_space<hbm>>) target_semaphore(%arg5 : memref<!tpu.dma_semaphore, #tpu.memory_space<semaphore_mem>>)
    %mul3A_371 = arith.constant 32 : i32
    %mul3A_372 = arith.muli %arg0, %mul3A_371 : i32
    %dma_start3A_373 = arith.constant 4 : i32
    %dma_start3A_374 = arith.constant 4 : i32
    %dma_start3A_375 = arith.constant 1 : i32
    %dma_start3A_376 = arith.constant 0 : i32
    %dma_start3A_377 = tpu.memref_slice %arg2[%dma_start3A_374, %mul3A_372, %dma_start3A_375, %dma_start3A_376] : memref<13x64x4x128xf32, #tpu.memory_space<hbm>> -> memref<1x32x1x128xf32, #tpu.memory_space<hbm>>
    %dma_start3A_378 = tpu.memref_squeeze %dma_start3A_377 : memref<1x32x1x128xf32, #tpu.memory_space<hbm>> -> memref<32x128xf32, #tpu.memory_space<hbm>>
    %dma_start3A_379 = arith.constant 0 : i32
    %dma_start3A_380 = arith.constant 0 : i32
    %dma_start3A_381 = tpu.memref_slice %arg3[%dma_start3A_373, %dma_start3A_379, %dma_start3A_380] : memref<13x32x128xf32, #tpu.memory_space<vmem_shared>> -> memref<1x32x128xf32, #tpu.memory_space<vmem_shared>>
    %dma_start3A_382 = tpu.memref_squeeze %dma_start3A_381 : memref<1x32x128xf32, #tpu.memory_space<vmem_shared>> -> memref<32x128xf32, #tpu.memory_space<vmem_shared>>
    tpu.enqueue_dma source(%dma_start3A_382 : memref<32x128xf32, #tpu.memory_space<vmem_shared>>) target(%dma_start3A_378 : memref<32x128xf32, #tpu.memory_space<hbm>>) target_semaphore(%arg5 : memref<!tpu.dma_semaphore, #tpu.memory_space<semaphore_mem>>)
    %mul3A_383 = arith.constant 32 : i32
    %mul3A_384 = arith.muli %arg0, %mul3A_383 : i32
    %dma_start3A_385 = arith.constant 4 : i32
    %dma_start3A_386 = arith.constant 4 : i32
    %dma_start3A_387 = arith.constant 2 : i32
    %dma_start3A_388 = arith.constant 0 : i32
    %dma_start3A_389 = tpu.memref_slice %arg2[%dma_start3A_386, %mul3A_384, %dma_start3A_387, %dma_start3A_388] : memref<13x64x4x128xf32, #tpu.memory_space<hbm>> -> memref<1x32x1x128xf32, #tpu.memory_space<hbm>>
    %dma_start3A_390 = tpu.memref_squeeze %dma_start3A_389 : memref<1x32x1x128xf32, #tpu.memory_space<hbm>> -> memref<32x128xf32, #tpu.memory_space<hbm>>
    %dma_start3A_391 = arith.constant 0 : i32
    %dma_start3A_392 = arith.constant 0 : i32
    %dma_start3A_393 = tpu.memref_slice %arg3[%dma_start3A_385, %dma_start3A_391, %dma_start3A_392] : memref<13x32x128xf32, #tpu.memory_space<vmem_shared>> -> memref<1x32x128xf32, #tpu.memory_space<vmem_shared>>
    %dma_start3A_394 = tpu.memref_squeeze %dma_start3A_393 : memref<1x32x128xf32, #tpu.memory_space<vmem_shared>> -> memref<32x128xf32, #tpu.memory_space<vmem_shared>>
    tpu.enqueue_dma source(%dma_start3A_394 : memref<32x128xf32, #tpu.memory_space<vmem_shared>>) target(%dma_start3A_390 : memref<32x128xf32, #tpu.memory_space<hbm>>) target_semaphore(%arg5 : memref<!tpu.dma_semaphore, #tpu.memory_space<semaphore_mem>>)
    %mul3A_395 = arith.constant 32 : i32
    %mul3A_396 = arith.muli %arg0, %mul3A_395 : i32
    %dma_start3A_397 = arith.constant 4 : i32
    %dma_start3A_398 = arith.constant 4 : i32
    %dma_start3A_399 = arith.constant 3 : i32
    %dma_start3A_400 = arith.constant 0 : i32
    %dma_start3A_401 = tpu.memref_slice %arg2[%dma_start3A_398, %mul3A_396, %dma_start3A_399, %dma_start3A_400] : memref<13x64x4x128xf32, #tpu.memory_space<hbm>> -> memref<1x32x1x128xf32, #tpu.memory_space<hbm>>
    %dma_start3A_402 = tpu.memref_squeeze %dma_start3A_401 : memref<1x32x1x128xf32, #tpu.memory_space<hbm>> -> memref<32x128xf32, #tpu.memory_space<hbm>>
    %dma_start3A_403 = arith.constant 0 : i32
    %dma_start3A_404 = arith.constant 0 : i32
    %dma_start3A_405 = tpu.memref_slice %arg3[%dma_start3A_397, %dma_start3A_403, %dma_start3A_404] : memref<13x32x128xf32, #tpu.memory_space<vmem_shared>> -> memref<1x32x128xf32, #tpu.memory_space<vmem_shared>>
    %dma_start3A_406 = tpu.memref_squeeze %dma_start3A_405 : memref<1x32x128xf32, #tpu.memory_space<vmem_shared>> -> memref<32x128xf32, #tpu.memory_space<vmem_shared>>
    tpu.enqueue_dma source(%dma_start3A_406 : memref<32x128xf32, #tpu.memory_space<vmem_shared>>) target(%dma_start3A_402 : memref<32x128xf32, #tpu.memory_space<hbm>>) target_semaphore(%arg5 : memref<!tpu.dma_semaphore, #tpu.memory_space<semaphore_mem>>)
    %dma_wait3A_407 = arith.constant 5 : i32
    %dma_wait3A_408 = arith.constant 0 : i32
    %dma_wait3A_409 = arith.constant 0 : i32
    %dma_wait3A_410 = tpu.memref_slice %arg3[%dma_wait3A_407, %dma_wait3A_408, %dma_wait3A_409] : memref<13x32x128xf32, #tpu.memory_space<vmem_shared>> -> memref<1x32x128xf32, #tpu.memory_space<vmem_shared>>
    %dma_wait3A_411 = tpu.memref_squeeze %dma_wait3A_410 : memref<1x32x128xf32, #tpu.memory_space<vmem_shared>> -> memref<32x128xf32, #tpu.memory_space<vmem_shared>>
    %dma_wait3A_412 = tpu.memref_reshape %dma_wait3A_411 : memref<32x128xf32, #tpu.memory_space<vmem_shared>> -> memref<1x4096xf32, #tpu.memory_space<vmem_shared>>
    %dma_wait3A_413 = arith.constant 5 : i32
    %dma_wait3A_414 = tpu.memref_slice %arg1[%dma_wait3A_413, %mul3A_49] : memref<13x8192xf32, #tpu.memory_space<hbm>> -> memref<1x4096xf32, #tpu.memory_space<hbm>>
    tpu.wait_dma2 semaphore(%arg4 : memref<!tpu.dma_semaphore, #tpu.memory_space<semaphore_mem>>) src(%dma_wait3A_414 : memref<1x4096xf32, #tpu.memory_space<hbm>>) dst(%dma_wait3A_412 : memref<1x4096xf32, #tpu.memory_space<vmem_shared>>)
    %mul3A_415 = arith.constant 32 : i32
    %mul3A_416 = arith.muli %arg0, %mul3A_415 : i32
    %dma_start3A_417 = arith.constant 5 : i32
    %dma_start3A_418 = arith.constant 5 : i32
    %dma_start3A_419 = arith.constant 0 : i32
    %dma_start3A_420 = arith.constant 0 : i32
    %dma_start3A_421 = tpu.memref_slice %arg2[%dma_start3A_418, %mul3A_416, %dma_start3A_419, %dma_start3A_420] : memref<13x64x4x128xf32, #tpu.memory_space<hbm>> -> memref<1x32x1x128xf32, #tpu.memory_space<hbm>>
    %dma_start3A_422 = tpu.memref_squeeze %dma_start3A_421 : memref<1x32x1x128xf32, #tpu.memory_space<hbm>> -> memref<32x128xf32, #tpu.memory_space<hbm>>
    %dma_start3A_423 = arith.constant 0 : i32
    %dma_start3A_424 = arith.constant 0 : i32
    %dma_start3A_425 = tpu.memref_slice %arg3[%dma_start3A_417, %dma_start3A_423, %dma_start3A_424] : memref<13x32x128xf32, #tpu.memory_space<vmem_shared>> -> memref<1x32x128xf32, #tpu.memory_space<vmem_shared>>
    %dma_start3A_426 = tpu.memref_squeeze %dma_start3A_425 : memref<1x32x128xf32, #tpu.memory_space<vmem_shared>> -> memref<32x128xf32, #tpu.memory_space<vmem_shared>>
    tpu.enqueue_dma source(%dma_start3A_426 : memref<32x128xf32, #tpu.memory_space<vmem_shared>>) target(%dma_start3A_422 : memref<32x128xf32, #tpu.memory_space<hbm>>) target_semaphore(%arg5 : memref<!tpu.dma_semaphore, #tpu.memory_space<semaphore_mem>>)
    %mul3A_427 = arith.constant 32 : i32
    %mul3A_428 = arith.muli %arg0, %mul3A_427 : i32
    %dma_start3A_429 = arith.constant 5 : i32
    %dma_start3A_430 = arith.constant 5 : i32
    %dma_start3A_431 = arith.constant 1 : i32
    %dma_start3A_432 = arith.constant 0 : i32
    %dma_start3A_433 = tpu.memref_slice %arg2[%dma_start3A_430, %mul3A_428, %dma_start3A_431, %dma_start3A_432] : memref<13x64x4x128xf32, #tpu.memory_space<hbm>> -> memref<1x32x1x128xf32, #tpu.memory_space<hbm>>
    %dma_start3A_434 = tpu.memref_squeeze %dma_start3A_433 : memref<1x32x1x128xf32, #tpu.memory_space<hbm>> -> memref<32x128xf32, #tpu.memory_space<hbm>>
    %dma_start3A_435 = arith.constant 0 : i32
    %dma_start3A_436 = arith.constant 0 : i32
    %dma_start3A_437 = tpu.memref_slice %arg3[%dma_start3A_429, %dma_start3A_435, %dma_start3A_436] : memref<13x32x128xf32, #tpu.memory_space<vmem_shared>> -> memref<1x32x128xf32, #tpu.memory_space<vmem_shared>>
    %dma_start3A_438 = tpu.memref_squeeze %dma_start3A_437 : memref<1x32x128xf32, #tpu.memory_space<vmem_shared>> -> memref<32x128xf32, #tpu.memory_space<vmem_shared>>
    tpu.enqueue_dma source(%dma_start3A_438 : memref<32x128xf32, #tpu.memory_space<vmem_shared>>) target(%dma_start3A_434 : memref<32x128xf32, #tpu.memory_space<hbm>>) target_semaphore(%arg5 : memref<!tpu.dma_semaphore, #tpu.memory_space<semaphore_mem>>)
    %mul3A_439 = arith.constant 32 : i32
    %mul3A_440 = arith.muli %arg0, %mul3A_439 : i32
    %dma_start3A_441 = arith.constant 5 : i32
    %dma_start3A_442 = arith.constant 5 : i32
    %dma_start3A_443 = arith.constant 2 : i32
    %dma_start3A_444 = arith.constant 0 : i32
    %dma_start3A_445 = tpu.memref_slice %arg2[%dma_start3A_442, %mul3A_440, %dma_start3A_443, %dma_start3A_444] : memref<13x64x4x128xf32, #tpu.memory_space<hbm>> -> memref<1x32x1x128xf32, #tpu.memory_space<hbm>>
    %dma_start3A_446 = tpu.memref_squeeze %dma_start3A_445 : memref<1x32x1x128xf32, #tpu.memory_space<hbm>> -> memref<32x128xf32, #tpu.memory_space<hbm>>
    %dma_start3A_447 = arith.constant 0 : i32
    %dma_start3A_448 = arith.constant 0 : i32
    %dma_start3A_449 = tpu.memref_slice %arg3[%dma_start3A_441, %dma_start3A_447, %dma_start3A_448] : memref<13x32x128xf32, #tpu.memory_space<vmem_shared>> -> memref<1x32x128xf32, #tpu.memory_space<vmem_shared>>
    %dma_start3A_450 = tpu.memref_squeeze %dma_start3A_449 : memref<1x32x128xf32, #tpu.memory_space<vmem_shared>> -> memref<32x128xf32, #tpu.memory_space<vmem_shared>>
    tpu.enqueue_dma source(%dma_start3A_450 : memref<32x128xf32, #tpu.memory_space<vmem_shared>>) target(%dma_start3A_446 : memref<32x128xf32, #tpu.memory_space<hbm>>) target_semaphore(%arg5 : memref<!tpu.dma_semaphore, #tpu.memory_space<semaphore_mem>>)
    %mul3A_451 = arith.constant 32 : i32
    %mul3A_452 = arith.muli %arg0, %mul3A_451 : i32
    %dma_start3A_453 = arith.constant 5 : i32
    %dma_start3A_454 = arith.constant 5 : i32
    %dma_start3A_455 = arith.constant 3 : i32
    %dma_start3A_456 = arith.constant 0 : i32
    %dma_start3A_457 = tpu.memref_slice %arg2[%dma_start3A_454, %mul3A_452, %dma_start3A_455, %dma_start3A_456] : memref<13x64x4x128xf32, #tpu.memory_space<hbm>> -> memref<1x32x1x128xf32, #tpu.memory_space<hbm>>
    %dma_start3A_458 = tpu.memref_squeeze %dma_start3A_457 : memref<1x32x1x128xf32, #tpu.memory_space<hbm>> -> memref<32x128xf32, #tpu.memory_space<hbm>>
    %dma_start3A_459 = arith.constant 0 : i32
    %dma_start3A_460 = arith.constant 0 : i32
    %dma_start3A_461 = tpu.memref_slice %arg3[%dma_start3A_453, %dma_start3A_459, %dma_start3A_460] : memref<13x32x128xf32, #tpu.memory_space<vmem_shared>> -> memref<1x32x128xf32, #tpu.memory_space<vmem_shared>>
    %dma_start3A_462 = tpu.memref_squeeze %dma_start3A_461 : memref<1x32x128xf32, #tpu.memory_space<vmem_shared>> -> memref<32x128xf32, #tpu.memory_space<vmem_shared>>
    tpu.enqueue_dma source(%dma_start3A_462 : memref<32x128xf32, #tpu.memory_space<vmem_shared>>) target(%dma_start3A_458 : memref<32x128xf32, #tpu.memory_space<hbm>>) target_semaphore(%arg5 : memref<!tpu.dma_semaphore, #tpu.memory_space<semaphore_mem>>)
    %dma_wait3A_463 = arith.constant 6 : i32
    %dma_wait3A_464 = arith.constant 0 : i32
    %dma_wait3A_465 = arith.constant 0 : i32
    %dma_wait3A_466 = tpu.memref_slice %arg3[%dma_wait3A_463, %dma_wait3A_464, %dma_wait3A_465] : memref<13x32x128xf32, #tpu.memory_space<vmem_shared>> -> memref<1x32x128xf32, #tpu.memory_space<vmem_shared>>
    %dma_wait3A_467 = tpu.memref_squeeze %dma_wait3A_466 : memref<1x32x128xf32, #tpu.memory_space<vmem_shared>> -> memref<32x128xf32, #tpu.memory_space<vmem_shared>>
    %dma_wait3A_468 = tpu.memref_reshape %dma_wait3A_467 : memref<32x128xf32, #tpu.memory_space<vmem_shared>> -> memref<1x4096xf32, #tpu.memory_space<vmem_shared>>
    %dma_wait3A_469 = arith.constant 6 : i32
    %dma_wait3A_470 = tpu.memref_slice %arg1[%dma_wait3A_469, %mul3A_59] : memref<13x8192xf32, #tpu.memory_space<hbm>> -> memref<1x4096xf32, #tpu.memory_space<hbm>>
    tpu.wait_dma2 semaphore(%arg4 : memref<!tpu.dma_semaphore, #tpu.memory_space<semaphore_mem>>) src(%dma_wait3A_470 : memref<1x4096xf32, #tpu.memory_space<hbm>>) dst(%dma_wait3A_468 : memref<1x4096xf32, #tpu.memory_space<vmem_shared>>)
    %mul3A_471 = arith.constant 32 : i32
    %mul3A_472 = arith.muli %arg0, %mul3A_471 : i32
    %dma_start3A_473 = arith.constant 6 : i32
    %dma_start3A_474 = arith.constant 6 : i32
    %dma_start3A_475 = arith.constant 0 : i32
    %dma_start3A_476 = arith.constant 0 : i32
    %dma_start3A_477 = tpu.memref_slice %arg2[%dma_start3A_474, %mul3A_472, %dma_start3A_475, %dma_start3A_476] : memref<13x64x4x128xf32, #tpu.memory_space<hbm>> -> memref<1x32x1x128xf32, #tpu.memory_space<hbm>>
    %dma_start3A_478 = tpu.memref_squeeze %dma_start3A_477 : memref<1x32x1x128xf32, #tpu.memory_space<hbm>> -> memref<32x128xf32, #tpu.memory_space<hbm>>
    %dma_start3A_479 = arith.constant 0 : i32
    %dma_start3A_480 = arith.constant 0 : i32
    %dma_start3A_481 = tpu.memref_slice %arg3[%dma_start3A_473, %dma_start3A_479, %dma_start3A_480] : memref<13x32x128xf32, #tpu.memory_space<vmem_shared>> -> memref<1x32x128xf32, #tpu.memory_space<vmem_shared>>
    %dma_start3A_482 = tpu.memref_squeeze %dma_start3A_481 : memref<1x32x128xf32, #tpu.memory_space<vmem_shared>> -> memref<32x128xf32, #tpu.memory_space<vmem_shared>>
    tpu.enqueue_dma source(%dma_start3A_482 : memref<32x128xf32, #tpu.memory_space<vmem_shared>>) target(%dma_start3A_478 : memref<32x128xf32, #tpu.memory_space<hbm>>) target_semaphore(%arg5 : memref<!tpu.dma_semaphore, #tpu.memory_space<semaphore_mem>>)
    %mul3A_483 = arith.constant 32 : i32
    %mul3A_484 = arith.muli %arg0, %mul3A_483 : i32
    %dma_start3A_485 = arith.constant 6 : i32
    %dma_start3A_486 = arith.constant 6 : i32
    %dma_start3A_487 = arith.constant 1 : i32
    %dma_start3A_488 = arith.constant 0 : i32
    %dma_start3A_489 = tpu.memref_slice %arg2[%dma_start3A_486, %mul3A_484, %dma_start3A_487, %dma_start3A_488] : memref<13x64x4x128xf32, #tpu.memory_space<hbm>> -> memref<1x32x1x128xf32, #tpu.memory_space<hbm>>
    %dma_start3A_490 = tpu.memref_squeeze %dma_start3A_489 : memref<1x32x1x128xf32, #tpu.memory_space<hbm>> -> memref<32x128xf32, #tpu.memory_space<hbm>>
    %dma_start3A_491 = arith.constant 0 : i32
    %dma_start3A_492 = arith.constant 0 : i32
    %dma_start3A_493 = tpu.memref_slice %arg3[%dma_start3A_485, %dma_start3A_491, %dma_start3A_492] : memref<13x32x128xf32, #tpu.memory_space<vmem_shared>> -> memref<1x32x128xf32, #tpu.memory_space<vmem_shared>>
    %dma_start3A_494 = tpu.memref_squeeze %dma_start3A_493 : memref<1x32x128xf32, #tpu.memory_space<vmem_shared>> -> memref<32x128xf32, #tpu.memory_space<vmem_shared>>
    tpu.enqueue_dma source(%dma_start3A_494 : memref<32x128xf32, #tpu.memory_space<vmem_shared>>) target(%dma_start3A_490 : memref<32x128xf32, #tpu.memory_space<hbm>>) target_semaphore(%arg5 : memref<!tpu.dma_semaphore, #tpu.memory_space<semaphore_mem>>)
    %mul3A_495 = arith.constant 32 : i32
    %mul3A_496 = arith.muli %arg0, %mul3A_495 : i32
    %dma_start3A_497 = arith.constant 6 : i32
    %dma_start3A_498 = arith.constant 6 : i32
    %dma_start3A_499 = arith.constant 2 : i32
    %dma_start3A_500 = arith.constant 0 : i32
    %dma_start3A_501 = tpu.memref_slice %arg2[%dma_start3A_498, %mul3A_496, %dma_start3A_499, %dma_start3A_500] : memref<13x64x4x128xf32, #tpu.memory_space<hbm>> -> memref<1x32x1x128xf32, #tpu.memory_space<hbm>>
    %dma_start3A_502 = tpu.memref_squeeze %dma_start3A_501 : memref<1x32x1x128xf32, #tpu.memory_space<hbm>> -> memref<32x128xf32, #tpu.memory_space<hbm>>
    %dma_start3A_503 = arith.constant 0 : i32
    %dma_start3A_504 = arith.constant 0 : i32
    %dma_start3A_505 = tpu.memref_slice %arg3[%dma_start3A_497, %dma_start3A_503, %dma_start3A_504] : memref<13x32x128xf32, #tpu.memory_space<vmem_shared>> -> memref<1x32x128xf32, #tpu.memory_space<vmem_shared>>
    %dma_start3A_506 = tpu.memref_squeeze %dma_start3A_505 : memref<1x32x128xf32, #tpu.memory_space<vmem_shared>> -> memref<32x128xf32, #tpu.memory_space<vmem_shared>>
    tpu.enqueue_dma source(%dma_start3A_506 : memref<32x128xf32, #tpu.memory_space<vmem_shared>>) target(%dma_start3A_502 : memref<32x128xf32, #tpu.memory_space<hbm>>) target_semaphore(%arg5 : memref<!tpu.dma_semaphore, #tpu.memory_space<semaphore_mem>>)
    %mul3A_507 = arith.constant 32 : i32
    %mul3A_508 = arith.muli %arg0, %mul3A_507 : i32
    %dma_start3A_509 = arith.constant 6 : i32
    %dma_start3A_510 = arith.constant 6 : i32
    %dma_start3A_511 = arith.constant 3 : i32
    %dma_start3A_512 = arith.constant 0 : i32
    %dma_start3A_513 = tpu.memref_slice %arg2[%dma_start3A_510, %mul3A_508, %dma_start3A_511, %dma_start3A_512] : memref<13x64x4x128xf32, #tpu.memory_space<hbm>> -> memref<1x32x1x128xf32, #tpu.memory_space<hbm>>
    %dma_start3A_514 = tpu.memref_squeeze %dma_start3A_513 : memref<1x32x1x128xf32, #tpu.memory_space<hbm>> -> memref<32x128xf32, #tpu.memory_space<hbm>>
    %dma_start3A_515 = arith.constant 0 : i32
    %dma_start3A_516 = arith.constant 0 : i32
    %dma_start3A_517 = tpu.memref_slice %arg3[%dma_start3A_509, %dma_start3A_515, %dma_start3A_516] : memref<13x32x128xf32, #tpu.memory_space<vmem_shared>> -> memref<1x32x128xf32, #tpu.memory_space<vmem_shared>>
    %dma_start3A_518 = tpu.memref_squeeze %dma_start3A_517 : memref<1x32x128xf32, #tpu.memory_space<vmem_shared>> -> memref<32x128xf32, #tpu.memory_space<vmem_shared>>
    tpu.enqueue_dma source(%dma_start3A_518 : memref<32x128xf32, #tpu.memory_space<vmem_shared>>) target(%dma_start3A_514 : memref<32x128xf32, #tpu.memory_space<hbm>>) target_semaphore(%arg5 : memref<!tpu.dma_semaphore, #tpu.memory_space<semaphore_mem>>)
    %dma_wait3A_519 = arith.constant 7 : i32
    %dma_wait3A_520 = arith.constant 0 : i32
    %dma_wait3A_521 = arith.constant 0 : i32
    %dma_wait3A_522 = tpu.memref_slice %arg3[%dma_wait3A_519, %dma_wait3A_520, %dma_wait3A_521] : memref<13x32x128xf32, #tpu.memory_space<vmem_shared>> -> memref<1x32x128xf32, #tpu.memory_space<vmem_shared>>
    %dma_wait3A_523 = tpu.memref_squeeze %dma_wait3A_522 : memref<1x32x128xf32, #tpu.memory_space<vmem_shared>> -> memref<32x128xf32, #tpu.memory_space<vmem_shared>>
    %dma_wait3A_524 = tpu.memref_reshape %dma_wait3A_523 : memref<32x128xf32, #tpu.memory_space<vmem_shared>> -> memref<1x4096xf32, #tpu.memory_space<vmem_shared>>
    %dma_wait3A_525 = arith.constant 7 : i32
    %dma_wait3A_526 = tpu.memref_slice %arg1[%dma_wait3A_525, %mul3A_69] : memref<13x8192xf32, #tpu.memory_space<hbm>> -> memref<1x4096xf32, #tpu.memory_space<hbm>>
    tpu.wait_dma2 semaphore(%arg4 : memref<!tpu.dma_semaphore, #tpu.memory_space<semaphore_mem>>) src(%dma_wait3A_526 : memref<1x4096xf32, #tpu.memory_space<hbm>>) dst(%dma_wait3A_524 : memref<1x4096xf32, #tpu.memory_space<vmem_shared>>)
    %mul3A_527 = arith.constant 32 : i32
    %mul3A_528 = arith.muli %arg0, %mul3A_527 : i32
    %dma_start3A_529 = arith.constant 7 : i32
    %dma_start3A_530 = arith.constant 7 : i32
    %dma_start3A_531 = arith.constant 0 : i32
    %dma_start3A_532 = arith.constant 0 : i32
    %dma_start3A_533 = tpu.memref_slice %arg2[%dma_start3A_530, %mul3A_528, %dma_start3A_531, %dma_start3A_532] : memref<13x64x4x128xf32, #tpu.memory_space<hbm>> -> memref<1x32x1x128xf32, #tpu.memory_space<hbm>>
    %dma_start3A_534 = tpu.memref_squeeze %dma_start3A_533 : memref<1x32x1x128xf32, #tpu.memory_space<hbm>> -> memref<32x128xf32, #tpu.memory_space<hbm>>
    %dma_start3A_535 = arith.constant 0 : i32
    %dma_start3A_536 = arith.constant 0 : i32
    %dma_start3A_537 = tpu.memref_slice %arg3[%dma_start3A_529, %dma_start3A_535, %dma_start3A_536] : memref<13x32x128xf32, #tpu.memory_space<vmem_shared>> -> memref<1x32x128xf32, #tpu.memory_space<vmem_shared>>
    %dma_start3A_538 = tpu.memref_squeeze %dma_start3A_537 : memref<1x32x128xf32, #tpu.memory_space<vmem_shared>> -> memref<32x128xf32, #tpu.memory_space<vmem_shared>>
    tpu.enqueue_dma source(%dma_start3A_538 : memref<32x128xf32, #tpu.memory_space<vmem_shared>>) target(%dma_start3A_534 : memref<32x128xf32, #tpu.memory_space<hbm>>) target_semaphore(%arg5 : memref<!tpu.dma_semaphore, #tpu.memory_space<semaphore_mem>>)
    %mul3A_539 = arith.constant 32 : i32
    %mul3A_540 = arith.muli %arg0, %mul3A_539 : i32
    %dma_start3A_541 = arith.constant 7 : i32
    %dma_start3A_542 = arith.constant 7 : i32
    %dma_start3A_543 = arith.constant 1 : i32
    %dma_start3A_544 = arith.constant 0 : i32
    %dma_start3A_545 = tpu.memref_slice %arg2[%dma_start3A_542, %mul3A_540, %dma_start3A_543, %dma_start3A_544] : memref<13x64x4x128xf32, #tpu.memory_space<hbm>> -> memref<1x32x1x128xf32, #tpu.memory_space<hbm>>
    %dma_start3A_546 = tpu.memref_squeeze %dma_start3A_545 : memref<1x32x1x128xf32, #tpu.memory_space<hbm>> -> memref<32x128xf32, #tpu.memory_space<hbm>>
    %dma_start3A_547 = arith.constant 0 : i32
    %dma_start3A_548 = arith.constant 0 : i32
    %dma_start3A_549 = tpu.memref_slice %arg3[%dma_start3A_541, %dma_start3A_547, %dma_start3A_548] : memref<13x32x128xf32, #tpu.memory_space<vmem_shared>> -> memref<1x32x128xf32, #tpu.memory_space<vmem_shared>>
    %dma_start3A_550 = tpu.memref_squeeze %dma_start3A_549 : memref<1x32x128xf32, #tpu.memory_space<vmem_shared>> -> memref<32x128xf32, #tpu.memory_space<vmem_shared>>
    tpu.enqueue_dma source(%dma_start3A_550 : memref<32x128xf32, #tpu.memory_space<vmem_shared>>) target(%dma_start3A_546 : memref<32x128xf32, #tpu.memory_space<hbm>>) target_semaphore(%arg5 : memref<!tpu.dma_semaphore, #tpu.memory_space<semaphore_mem>>)
    %mul3A_551 = arith.constant 32 : i32
    %mul3A_552 = arith.muli %arg0, %mul3A_551 : i32
    %dma_start3A_553 = arith.constant 7 : i32
    %dma_start3A_554 = arith.constant 7 : i32
    %dma_start3A_555 = arith.constant 2 : i32
    %dma_start3A_556 = arith.constant 0 : i32
    %dma_start3A_557 = tpu.memref_slice %arg2[%dma_start3A_554, %mul3A_552, %dma_start3A_555, %dma_start3A_556] : memref<13x64x4x128xf32, #tpu.memory_space<hbm>> -> memref<1x32x1x128xf32, #tpu.memory_space<hbm>>
    %dma_start3A_558 = tpu.memref_squeeze %dma_start3A_557 : memref<1x32x1x128xf32, #tpu.memory_space<hbm>> -> memref<32x128xf32, #tpu.memory_space<hbm>>
    %dma_start3A_559 = arith.constant 0 : i32
    %dma_start3A_560 = arith.constant 0 : i32
    %dma_start3A_561 = tpu.memref_slice %arg3[%dma_start3A_553, %dma_start3A_559, %dma_start3A_560] : memref<13x32x128xf32, #tpu.memory_space<vmem_shared>> -> memref<1x32x128xf32, #tpu.memory_space<vmem_shared>>
    %dma_start3A_562 = tpu.memref_squeeze %dma_start3A_561 : memref<1x32x128xf32, #tpu.memory_space<vmem_shared>> -> memref<32x128xf32, #tpu.memory_space<vmem_shared>>
    tpu.enqueue_dma source(%dma_start3A_562 : memref<32x128xf32, #tpu.memory_space<vmem_shared>>) target(%dma_start3A_558 : memref<32x128xf32, #tpu.memory_space<hbm>>) target_semaphore(%arg5 : memref<!tpu.dma_semaphore, #tpu.memory_space<semaphore_mem>>)
    %mul3A_563 = arith.constant 32 : i32
    %mul3A_564 = arith.muli %arg0, %mul3A_563 : i32
    %dma_start3A_565 = arith.constant 7 : i32
    %dma_start3A_566 = arith.constant 7 : i32
    %dma_start3A_567 = arith.constant 3 : i32
    %dma_start3A_568 = arith.constant 0 : i32
    %dma_start3A_569 = tpu.memref_slice %arg2[%dma_start3A_566, %mul3A_564, %dma_start3A_567, %dma_start3A_568] : memref<13x64x4x128xf32, #tpu.memory_space<hbm>> -> memref<1x32x1x128xf32, #tpu.memory_space<hbm>>
    %dma_start3A_570 = tpu.memref_squeeze %dma_start3A_569 : memref<1x32x1x128xf32, #tpu.memory_space<hbm>> -> memref<32x128xf32, #tpu.memory_space<hbm>>
    %dma_start3A_571 = arith.constant 0 : i32
    %dma_start3A_572 = arith.constant 0 : i32
    %dma_start3A_573 = tpu.memref_slice %arg3[%dma_start3A_565, %dma_start3A_571, %dma_start3A_572] : memref<13x32x128xf32, #tpu.memory_space<vmem_shared>> -> memref<1x32x128xf32, #tpu.memory_space<vmem_shared>>
    %dma_start3A_574 = tpu.memref_squeeze %dma_start3A_573 : memref<1x32x128xf32, #tpu.memory_space<vmem_shared>> -> memref<32x128xf32, #tpu.memory_space<vmem_shared>>
    tpu.enqueue_dma source(%dma_start3A_574 : memref<32x128xf32, #tpu.memory_space<vmem_shared>>) target(%dma_start3A_570 : memref<32x128xf32, #tpu.memory_space<hbm>>) target_semaphore(%arg5 : memref<!tpu.dma_semaphore, #tpu.memory_space<semaphore_mem>>)
    %dma_wait3A_575 = arith.constant 8 : i32
    %dma_wait3A_576 = arith.constant 0 : i32
    %dma_wait3A_577 = arith.constant 0 : i32
    %dma_wait3A_578 = tpu.memref_slice %arg3[%dma_wait3A_575, %dma_wait3A_576, %dma_wait3A_577] : memref<13x32x128xf32, #tpu.memory_space<vmem_shared>> -> memref<1x32x128xf32, #tpu.memory_space<vmem_shared>>
    %dma_wait3A_579 = tpu.memref_squeeze %dma_wait3A_578 : memref<1x32x128xf32, #tpu.memory_space<vmem_shared>> -> memref<32x128xf32, #tpu.memory_space<vmem_shared>>
    %dma_wait3A_580 = tpu.memref_reshape %dma_wait3A_579 : memref<32x128xf32, #tpu.memory_space<vmem_shared>> -> memref<1x4096xf32, #tpu.memory_space<vmem_shared>>
    %dma_wait3A_581 = arith.constant 8 : i32
    %dma_wait3A_582 = tpu.memref_slice %arg1[%dma_wait3A_581, %mul3A_79] : memref<13x8192xf32, #tpu.memory_space<hbm>> -> memref<1x4096xf32, #tpu.memory_space<hbm>>
    tpu.wait_dma2 semaphore(%arg4 : memref<!tpu.dma_semaphore, #tpu.memory_space<semaphore_mem>>) src(%dma_wait3A_582 : memref<1x4096xf32, #tpu.memory_space<hbm>>) dst(%dma_wait3A_580 : memref<1x4096xf32, #tpu.memory_space<vmem_shared>>)
    %mul3A_583 = arith.constant 32 : i32
    %mul3A_584 = arith.muli %arg0, %mul3A_583 : i32
    %dma_start3A_585 = arith.constant 8 : i32
    %dma_start3A_586 = arith.constant 8 : i32
    %dma_start3A_587 = arith.constant 0 : i32
    %dma_start3A_588 = arith.constant 0 : i32
    %dma_start3A_589 = tpu.memref_slice %arg2[%dma_start3A_586, %mul3A_584, %dma_start3A_587, %dma_start3A_588] : memref<13x64x4x128xf32, #tpu.memory_space<hbm>> -> memref<1x32x1x128xf32, #tpu.memory_space<hbm>>
    %dma_start3A_590 = tpu.memref_squeeze %dma_start3A_589 : memref<1x32x1x128xf32, #tpu.memory_space<hbm>> -> memref<32x128xf32, #tpu.memory_space<hbm>>
    %dma_start3A_591 = arith.constant 0 : i32
    %dma_start3A_592 = arith.constant 0 : i32
    %dma_start3A_593 = tpu.memref_slice %arg3[%dma_start3A_585, %dma_start3A_591, %dma_start3A_592] : memref<13x32x128xf32, #tpu.memory_space<vmem_shared>> -> memref<1x32x128xf32, #tpu.memory_space<vmem_shared>>
    %dma_start3A_594 = tpu.memref_squeeze %dma_start3A_593 : memref<1x32x128xf32, #tpu.memory_space<vmem_shared>> -> memref<32x128xf32, #tpu.memory_space<vmem_shared>>
    tpu.enqueue_dma source(%dma_start3A_594 : memref<32x128xf32, #tpu.memory_space<vmem_shared>>) target(%dma_start3A_590 : memref<32x128xf32, #tpu.memory_space<hbm>>) target_semaphore(%arg5 : memref<!tpu.dma_semaphore, #tpu.memory_space<semaphore_mem>>)
    %mul3A_595 = arith.constant 32 : i32
    %mul3A_596 = arith.muli %arg0, %mul3A_595 : i32
    %dma_start3A_597 = arith.constant 8 : i32
    %dma_start3A_598 = arith.constant 8 : i32
    %dma_start3A_599 = arith.constant 1 : i32
    %dma_start3A_600 = arith.constant 0 : i32
    %dma_start3A_601 = tpu.memref_slice %arg2[%dma_start3A_598, %mul3A_596, %dma_start3A_599, %dma_start3A_600] : memref<13x64x4x128xf32, #tpu.memory_space<hbm>> -> memref<1x32x1x128xf32, #tpu.memory_space<hbm>>
    %dma_start3A_602 = tpu.memref_squeeze %dma_start3A_601 : memref<1x32x1x128xf32, #tpu.memory_space<hbm>> -> memref<32x128xf32, #tpu.memory_space<hbm>>
    %dma_start3A_603 = arith.constant 0 : i32
    %dma_start3A_604 = arith.constant 0 : i32
    %dma_start3A_605 = tpu.memref_slice %arg3[%dma_start3A_597, %dma_start3A_603, %dma_start3A_604] : memref<13x32x128xf32, #tpu.memory_space<vmem_shared>> -> memref<1x32x128xf32, #tpu.memory_space<vmem_shared>>
    %dma_start3A_606 = tpu.memref_squeeze %dma_start3A_605 : memref<1x32x128xf32, #tpu.memory_space<vmem_shared>> -> memref<32x128xf32, #tpu.memory_space<vmem_shared>>
    tpu.enqueue_dma source(%dma_start3A_606 : memref<32x128xf32, #tpu.memory_space<vmem_shared>>) target(%dma_start3A_602 : memref<32x128xf32, #tpu.memory_space<hbm>>) target_semaphore(%arg5 : memref<!tpu.dma_semaphore, #tpu.memory_space<semaphore_mem>>)
    %mul3A_607 = arith.constant 32 : i32
    %mul3A_608 = arith.muli %arg0, %mul3A_607 : i32
    %dma_start3A_609 = arith.constant 8 : i32
    %dma_start3A_610 = arith.constant 8 : i32
    %dma_start3A_611 = arith.constant 2 : i32
    %dma_start3A_612 = arith.constant 0 : i32
    %dma_start3A_613 = tpu.memref_slice %arg2[%dma_start3A_610, %mul3A_608, %dma_start3A_611, %dma_start3A_612] : memref<13x64x4x128xf32, #tpu.memory_space<hbm>> -> memref<1x32x1x128xf32, #tpu.memory_space<hbm>>
    %dma_start3A_614 = tpu.memref_squeeze %dma_start3A_613 : memref<1x32x1x128xf32, #tpu.memory_space<hbm>> -> memref<32x128xf32, #tpu.memory_space<hbm>>
    %dma_start3A_615 = arith.constant 0 : i32
    %dma_start3A_616 = arith.constant 0 : i32
    %dma_start3A_617 = tpu.memref_slice %arg3[%dma_start3A_609, %dma_start3A_615, %dma_start3A_616] : memref<13x32x128xf32, #tpu.memory_space<vmem_shared>> -> memref<1x32x128xf32, #tpu.memory_space<vmem_shared>>
    %dma_start3A_618 = tpu.memref_squeeze %dma_start3A_617 : memref<1x32x128xf32, #tpu.memory_space<vmem_shared>> -> memref<32x128xf32, #tpu.memory_space<vmem_shared>>
    tpu.enqueue_dma source(%dma_start3A_618 : memref<32x128xf32, #tpu.memory_space<vmem_shared>>) target(%dma_start3A_614 : memref<32x128xf32, #tpu.memory_space<hbm>>) target_semaphore(%arg5 : memref<!tpu.dma_semaphore, #tpu.memory_space<semaphore_mem>>)
    %mul3A_619 = arith.constant 32 : i32
    %mul3A_620 = arith.muli %arg0, %mul3A_619 : i32
    %dma_start3A_621 = arith.constant 8 : i32
    %dma_start3A_622 = arith.constant 8 : i32
    %dma_start3A_623 = arith.constant 3 : i32
    %dma_start3A_624 = arith.constant 0 : i32
    %dma_start3A_625 = tpu.memref_slice %arg2[%dma_start3A_622, %mul3A_620, %dma_start3A_623, %dma_start3A_624] : memref<13x64x4x128xf32, #tpu.memory_space<hbm>> -> memref<1x32x1x128xf32, #tpu.memory_space<hbm>>
    %dma_start3A_626 = tpu.memref_squeeze %dma_start3A_625 : memref<1x32x1x128xf32, #tpu.memory_space<hbm>> -> memref<32x128xf32, #tpu.memory_space<hbm>>
    %dma_start3A_627 = arith.constant 0 : i32
    %dma_start3A_628 = arith.constant 0 : i32
    %dma_start3A_629 = tpu.memref_slice %arg3[%dma_start3A_621, %dma_start3A_627, %dma_start3A_628] : memref<13x32x128xf32, #tpu.memory_space<vmem_shared>> -> memref<1x32x128xf32, #tpu.memory_space<vmem_shared>>
    %dma_start3A_630 = tpu.memref_squeeze %dma_start3A_629 : memref<1x32x128xf32, #tpu.memory_space<vmem_shared>> -> memref<32x128xf32, #tpu.memory_space<vmem_shared>>
    tpu.enqueue_dma source(%dma_start3A_630 : memref<32x128xf32, #tpu.memory_space<vmem_shared>>) target(%dma_start3A_626 : memref<32x128xf32, #tpu.memory_space<hbm>>) target_semaphore(%arg5 : memref<!tpu.dma_semaphore, #tpu.memory_space<semaphore_mem>>)
    %dma_wait3A_631 = arith.constant 9 : i32
    %dma_wait3A_632 = arith.constant 0 : i32
    %dma_wait3A_633 = arith.constant 0 : i32
    %dma_wait3A_634 = tpu.memref_slice %arg3[%dma_wait3A_631, %dma_wait3A_632, %dma_wait3A_633] : memref<13x32x128xf32, #tpu.memory_space<vmem_shared>> -> memref<1x32x128xf32, #tpu.memory_space<vmem_shared>>
    %dma_wait3A_635 = tpu.memref_squeeze %dma_wait3A_634 : memref<1x32x128xf32, #tpu.memory_space<vmem_shared>> -> memref<32x128xf32, #tpu.memory_space<vmem_shared>>
    %dma_wait3A_636 = tpu.memref_reshape %dma_wait3A_635 : memref<32x128xf32, #tpu.memory_space<vmem_shared>> -> memref<1x4096xf32, #tpu.memory_space<vmem_shared>>
    %dma_wait3A_637 = arith.constant 9 : i32
    %dma_wait3A_638 = tpu.memref_slice %arg1[%dma_wait3A_637, %mul3A_89] : memref<13x8192xf32, #tpu.memory_space<hbm>> -> memref<1x4096xf32, #tpu.memory_space<hbm>>
    tpu.wait_dma2 semaphore(%arg4 : memref<!tpu.dma_semaphore, #tpu.memory_space<semaphore_mem>>) src(%dma_wait3A_638 : memref<1x4096xf32, #tpu.memory_space<hbm>>) dst(%dma_wait3A_636 : memref<1x4096xf32, #tpu.memory_space<vmem_shared>>)
    %mul3A_639 = arith.constant 32 : i32
    %mul3A_640 = arith.muli %arg0, %mul3A_639 : i32
    %dma_start3A_641 = arith.constant 9 : i32
    %dma_start3A_642 = arith.constant 9 : i32
    %dma_start3A_643 = arith.constant 0 : i32
    %dma_start3A_644 = arith.constant 0 : i32
    %dma_start3A_645 = tpu.memref_slice %arg2[%dma_start3A_642, %mul3A_640, %dma_start3A_643, %dma_start3A_644] : memref<13x64x4x128xf32, #tpu.memory_space<hbm>> -> memref<1x32x1x128xf32, #tpu.memory_space<hbm>>
    %dma_start3A_646 = tpu.memref_squeeze %dma_start3A_645 : memref<1x32x1x128xf32, #tpu.memory_space<hbm>> -> memref<32x128xf32, #tpu.memory_space<hbm>>
    %dma_start3A_647 = arith.constant 0 : i32
    %dma_start3A_648 = arith.constant 0 : i32
    %dma_start3A_649 = tpu.memref_slice %arg3[%dma_start3A_641, %dma_start3A_647, %dma_start3A_648] : memref<13x32x128xf32, #tpu.memory_space<vmem_shared>> -> memref<1x32x128xf32, #tpu.memory_space<vmem_shared>>
    %dma_start3A_650 = tpu.memref_squeeze %dma_start3A_649 : memref<1x32x128xf32, #tpu.memory_space<vmem_shared>> -> memref<32x128xf32, #tpu.memory_space<vmem_shared>>
    tpu.enqueue_dma source(%dma_start3A_650 : memref<32x128xf32, #tpu.memory_space<vmem_shared>>) target(%dma_start3A_646 : memref<32x128xf32, #tpu.memory_space<hbm>>) target_semaphore(%arg5 : memref<!tpu.dma_semaphore, #tpu.memory_space<semaphore_mem>>)
    %mul3A_651 = arith.constant 32 : i32
    %mul3A_652 = arith.muli %arg0, %mul3A_651 : i32
    %dma_start3A_653 = arith.constant 9 : i32
    %dma_start3A_654 = arith.constant 9 : i32
    %dma_start3A_655 = arith.constant 1 : i32
    %dma_start3A_656 = arith.constant 0 : i32
    %dma_start3A_657 = tpu.memref_slice %arg2[%dma_start3A_654, %mul3A_652, %dma_start3A_655, %dma_start3A_656] : memref<13x64x4x128xf32, #tpu.memory_space<hbm>> -> memref<1x32x1x128xf32, #tpu.memory_space<hbm>>
    %dma_start3A_658 = tpu.memref_squeeze %dma_start3A_657 : memref<1x32x1x128xf32, #tpu.memory_space<hbm>> -> memref<32x128xf32, #tpu.memory_space<hbm>>
    %dma_start3A_659 = arith.constant 0 : i32
    %dma_start3A_660 = arith.constant 0 : i32
    %dma_start3A_661 = tpu.memref_slice %arg3[%dma_start3A_653, %dma_start3A_659, %dma_start3A_660] : memref<13x32x128xf32, #tpu.memory_space<vmem_shared>> -> memref<1x32x128xf32, #tpu.memory_space<vmem_shared>>
    %dma_start3A_662 = tpu.memref_squeeze %dma_start3A_661 : memref<1x32x128xf32, #tpu.memory_space<vmem_shared>> -> memref<32x128xf32, #tpu.memory_space<vmem_shared>>
    tpu.enqueue_dma source(%dma_start3A_662 : memref<32x128xf32, #tpu.memory_space<vmem_shared>>) target(%dma_start3A_658 : memref<32x128xf32, #tpu.memory_space<hbm>>) target_semaphore(%arg5 : memref<!tpu.dma_semaphore, #tpu.memory_space<semaphore_mem>>)
    %mul3A_663 = arith.constant 32 : i32
    %mul3A_664 = arith.muli %arg0, %mul3A_663 : i32
    %dma_start3A_665 = arith.constant 9 : i32
    %dma_start3A_666 = arith.constant 9 : i32
    %dma_start3A_667 = arith.constant 2 : i32
    %dma_start3A_668 = arith.constant 0 : i32
    %dma_start3A_669 = tpu.memref_slice %arg2[%dma_start3A_666, %mul3A_664, %dma_start3A_667, %dma_start3A_668] : memref<13x64x4x128xf32, #tpu.memory_space<hbm>> -> memref<1x32x1x128xf32, #tpu.memory_space<hbm>>
    %dma_start3A_670 = tpu.memref_squeeze %dma_start3A_669 : memref<1x32x1x128xf32, #tpu.memory_space<hbm>> -> memref<32x128xf32, #tpu.memory_space<hbm>>
    %dma_start3A_671 = arith.constant 0 : i32
    %dma_start3A_672 = arith.constant 0 : i32
    %dma_start3A_673 = tpu.memref_slice %arg3[%dma_start3A_665, %dma_start3A_671, %dma_start3A_672] : memref<13x32x128xf32, #tpu.memory_space<vmem_shared>> -> memref<1x32x128xf32, #tpu.memory_space<vmem_shared>>
    %dma_start3A_674 = tpu.memref_squeeze %dma_start3A_673 : memref<1x32x128xf32, #tpu.memory_space<vmem_shared>> -> memref<32x128xf32, #tpu.memory_space<vmem_shared>>
    tpu.enqueue_dma source(%dma_start3A_674 : memref<32x128xf32, #tpu.memory_space<vmem_shared>>) target(%dma_start3A_670 : memref<32x128xf32, #tpu.memory_space<hbm>>) target_semaphore(%arg5 : memref<!tpu.dma_semaphore, #tpu.memory_space<semaphore_mem>>)
    %mul3A_675 = arith.constant 32 : i32
    %mul3A_676 = arith.muli %arg0, %mul3A_675 : i32
    %dma_start3A_677 = arith.constant 9 : i32
    %dma_start3A_678 = arith.constant 9 : i32
    %dma_start3A_679 = arith.constant 3 : i32
    %dma_start3A_680 = arith.constant 0 : i32
    %dma_start3A_681 = tpu.memref_slice %arg2[%dma_start3A_678, %mul3A_676, %dma_start3A_679, %dma_start3A_680] : memref<13x64x4x128xf32, #tpu.memory_space<hbm>> -> memref<1x32x1x128xf32, #tpu.memory_space<hbm>>
    %dma_start3A_682 = tpu.memref_squeeze %dma_start3A_681 : memref<1x32x1x128xf32, #tpu.memory_space<hbm>> -> memref<32x128xf32, #tpu.memory_space<hbm>>
    %dma_start3A_683 = arith.constant 0 : i32
    %dma_start3A_684 = arith.constant 0 : i32
    %dma_start3A_685 = tpu.memref_slice %arg3[%dma_start3A_677, %dma_start3A_683, %dma_start3A_684] : memref<13x32x128xf32, #tpu.memory_space<vmem_shared>> -> memref<1x32x128xf32, #tpu.memory_space<vmem_shared>>
    %dma_start3A_686 = tpu.memref_squeeze %dma_start3A_685 : memref<1x32x128xf32, #tpu.memory_space<vmem_shared>> -> memref<32x128xf32, #tpu.memory_space<vmem_shared>>
    tpu.enqueue_dma source(%dma_start3A_686 : memref<32x128xf32, #tpu.memory_space<vmem_shared>>) target(%dma_start3A_682 : memref<32x128xf32, #tpu.memory_space<hbm>>) target_semaphore(%arg5 : memref<!tpu.dma_semaphore, #tpu.memory_space<semaphore_mem>>)
    %dma_wait3A_687 = arith.constant 10 : i32
    %dma_wait3A_688 = arith.constant 0 : i32
    %dma_wait3A_689 = arith.constant 0 : i32
    %dma_wait3A_690 = tpu.memref_slice %arg3[%dma_wait3A_687, %dma_wait3A_688, %dma_wait3A_689] : memref<13x32x128xf32, #tpu.memory_space<vmem_shared>> -> memref<1x32x128xf32, #tpu.memory_space<vmem_shared>>
    %dma_wait3A_691 = tpu.memref_squeeze %dma_wait3A_690 : memref<1x32x128xf32, #tpu.memory_space<vmem_shared>> -> memref<32x128xf32, #tpu.memory_space<vmem_shared>>
    %dma_wait3A_692 = tpu.memref_reshape %dma_wait3A_691 : memref<32x128xf32, #tpu.memory_space<vmem_shared>> -> memref<1x4096xf32, #tpu.memory_space<vmem_shared>>
    %dma_wait3A_693 = arith.constant 10 : i32
    %dma_wait3A_694 = tpu.memref_slice %arg1[%dma_wait3A_693, %mul3A_99] : memref<13x8192xf32, #tpu.memory_space<hbm>> -> memref<1x4096xf32, #tpu.memory_space<hbm>>
    tpu.wait_dma2 semaphore(%arg4 : memref<!tpu.dma_semaphore, #tpu.memory_space<semaphore_mem>>) src(%dma_wait3A_694 : memref<1x4096xf32, #tpu.memory_space<hbm>>) dst(%dma_wait3A_692 : memref<1x4096xf32, #tpu.memory_space<vmem_shared>>)
    %mul3A_695 = arith.constant 32 : i32
    %mul3A_696 = arith.muli %arg0, %mul3A_695 : i32
    %dma_start3A_697 = arith.constant 10 : i32
    %dma_start3A_698 = arith.constant 10 : i32
    %dma_start3A_699 = arith.constant 0 : i32
    %dma_start3A_700 = arith.constant 0 : i32
    %dma_start3A_701 = tpu.memref_slice %arg2[%dma_start3A_698, %mul3A_696, %dma_start3A_699, %dma_start3A_700] : memref<13x64x4x128xf32, #tpu.memory_space<hbm>> -> memref<1x32x1x128xf32, #tpu.memory_space<hbm>>
    %dma_start3A_702 = tpu.memref_squeeze %dma_start3A_701 : memref<1x32x1x128xf32, #tpu.memory_space<hbm>> -> memref<32x128xf32, #tpu.memory_space<hbm>>
    %dma_start3A_703 = arith.constant 0 : i32
    %dma_start3A_704 = arith.constant 0 : i32
    %dma_start3A_705 = tpu.memref_slice %arg3[%dma_start3A_697, %dma_start3A_703, %dma_start3A_704] : memref<13x32x128xf32, #tpu.memory_space<vmem_shared>> -> memref<1x32x128xf32, #tpu.memory_space<vmem_shared>>
    %dma_start3A_706 = tpu.memref_squeeze %dma_start3A_705 : memref<1x32x128xf32, #tpu.memory_space<vmem_shared>> -> memref<32x128xf32, #tpu.memory_space<vmem_shared>>
    tpu.enqueue_dma source(%dma_start3A_706 : memref<32x128xf32, #tpu.memory_space<vmem_shared>>) target(%dma_start3A_702 : memref<32x128xf32, #tpu.memory_space<hbm>>) target_semaphore(%arg5 : memref<!tpu.dma_semaphore, #tpu.memory_space<semaphore_mem>>)
    %mul3A_707 = arith.constant 32 : i32
    %mul3A_708 = arith.muli %arg0, %mul3A_707 : i32
    %dma_start3A_709 = arith.constant 10 : i32
    %dma_start3A_710 = arith.constant 10 : i32
    %dma_start3A_711 = arith.constant 1 : i32
    %dma_start3A_712 = arith.constant 0 : i32
    %dma_start3A_713 = tpu.memref_slice %arg2[%dma_start3A_710, %mul3A_708, %dma_start3A_711, %dma_start3A_712] : memref<13x64x4x128xf32, #tpu.memory_space<hbm>> -> memref<1x32x1x128xf32, #tpu.memory_space<hbm>>
    %dma_start3A_714 = tpu.memref_squeeze %dma_start3A_713 : memref<1x32x1x128xf32, #tpu.memory_space<hbm>> -> memref<32x128xf32, #tpu.memory_space<hbm>>
    %dma_start3A_715 = arith.constant 0 : i32
    %dma_start3A_716 = arith.constant 0 : i32
    %dma_start3A_717 = tpu.memref_slice %arg3[%dma_start3A_709, %dma_start3A_715, %dma_start3A_716] : memref<13x32x128xf32, #tpu.memory_space<vmem_shared>> -> memref<1x32x128xf32, #tpu.memory_space<vmem_shared>>
    %dma_start3A_718 = tpu.memref_squeeze %dma_start3A_717 : memref<1x32x128xf32, #tpu.memory_space<vmem_shared>> -> memref<32x128xf32, #tpu.memory_space<vmem_shared>>
    tpu.enqueue_dma source(%dma_start3A_718 : memref<32x128xf32, #tpu.memory_space<vmem_shared>>) target(%dma_start3A_714 : memref<32x128xf32, #tpu.memory_space<hbm>>) target_semaphore(%arg5 : memref<!tpu.dma_semaphore, #tpu.memory_space<semaphore_mem>>)
    %mul3A_719 = arith.constant 32 : i32
    %mul3A_720 = arith.muli %arg0, %mul3A_719 : i32
    %dma_start3A_721 = arith.constant 10 : i32
    %dma_start3A_722 = arith.constant 10 : i32
    %dma_start3A_723 = arith.constant 2 : i32
    %dma_start3A_724 = arith.constant 0 : i32
    %dma_start3A_725 = tpu.memref_slice %arg2[%dma_start3A_722, %mul3A_720, %dma_start3A_723, %dma_start3A_724] : memref<13x64x4x128xf32, #tpu.memory_space<hbm>> -> memref<1x32x1x128xf32, #tpu.memory_space<hbm>>
    %dma_start3A_726 = tpu.memref_squeeze %dma_start3A_725 : memref<1x32x1x128xf32, #tpu.memory_space<hbm>> -> memref<32x128xf32, #tpu.memory_space<hbm>>
    %dma_start3A_727 = arith.constant 0 : i32
    %dma_start3A_728 = arith.constant 0 : i32
    %dma_start3A_729 = tpu.memref_slice %arg3[%dma_start3A_721, %dma_start3A_727, %dma_start3A_728] : memref<13x32x128xf32, #tpu.memory_space<vmem_shared>> -> memref<1x32x128xf32, #tpu.memory_space<vmem_shared>>
    %dma_start3A_730 = tpu.memref_squeeze %dma_start3A_729 : memref<1x32x128xf32, #tpu.memory_space<vmem_shared>> -> memref<32x128xf32, #tpu.memory_space<vmem_shared>>
    tpu.enqueue_dma source(%dma_start3A_730 : memref<32x128xf32, #tpu.memory_space<vmem_shared>>) target(%dma_start3A_726 : memref<32x128xf32, #tpu.memory_space<hbm>>) target_semaphore(%arg5 : memref<!tpu.dma_semaphore, #tpu.memory_space<semaphore_mem>>)
    %mul3A_731 = arith.constant 32 : i32
    %mul3A_732 = arith.muli %arg0, %mul3A_731 : i32
    %dma_start3A_733 = arith.constant 10 : i32
    %dma_start3A_734 = arith.constant 10 : i32
    %dma_start3A_735 = arith.constant 3 : i32
    %dma_start3A_736 = arith.constant 0 : i32
    %dma_start3A_737 = tpu.memref_slice %arg2[%dma_start3A_734, %mul3A_732, %dma_start3A_735, %dma_start3A_736] : memref<13x64x4x128xf32, #tpu.memory_space<hbm>> -> memref<1x32x1x128xf32, #tpu.memory_space<hbm>>
    %dma_start3A_738 = tpu.memref_squeeze %dma_start3A_737 : memref<1x32x1x128xf32, #tpu.memory_space<hbm>> -> memref<32x128xf32, #tpu.memory_space<hbm>>
    %dma_start3A_739 = arith.constant 0 : i32
    %dma_start3A_740 = arith.constant 0 : i32
    %dma_start3A_741 = tpu.memref_slice %arg3[%dma_start3A_733, %dma_start3A_739, %dma_start3A_740] : memref<13x32x128xf32, #tpu.memory_space<vmem_shared>> -> memref<1x32x128xf32, #tpu.memory_space<vmem_shared>>
    %dma_start3A_742 = tpu.memref_squeeze %dma_start3A_741 : memref<1x32x128xf32, #tpu.memory_space<vmem_shared>> -> memref<32x128xf32, #tpu.memory_space<vmem_shared>>
    tpu.enqueue_dma source(%dma_start3A_742 : memref<32x128xf32, #tpu.memory_space<vmem_shared>>) target(%dma_start3A_738 : memref<32x128xf32, #tpu.memory_space<hbm>>) target_semaphore(%arg5 : memref<!tpu.dma_semaphore, #tpu.memory_space<semaphore_mem>>)
    %dma_wait3A_743 = arith.constant 11 : i32
    %dma_wait3A_744 = arith.constant 0 : i32
    %dma_wait3A_745 = arith.constant 0 : i32
    %dma_wait3A_746 = tpu.memref_slice %arg3[%dma_wait3A_743, %dma_wait3A_744, %dma_wait3A_745] : memref<13x32x128xf32, #tpu.memory_space<vmem_shared>> -> memref<1x32x128xf32, #tpu.memory_space<vmem_shared>>
    %dma_wait3A_747 = tpu.memref_squeeze %dma_wait3A_746 : memref<1x32x128xf32, #tpu.memory_space<vmem_shared>> -> memref<32x128xf32, #tpu.memory_space<vmem_shared>>
    %dma_wait3A_748 = tpu.memref_reshape %dma_wait3A_747 : memref<32x128xf32, #tpu.memory_space<vmem_shared>> -> memref<1x4096xf32, #tpu.memory_space<vmem_shared>>
    %dma_wait3A_749 = arith.constant 11 : i32
    %dma_wait3A_750 = tpu.memref_slice %arg1[%dma_wait3A_749, %mul3A_109] : memref<13x8192xf32, #tpu.memory_space<hbm>> -> memref<1x4096xf32, #tpu.memory_space<hbm>>
    tpu.wait_dma2 semaphore(%arg4 : memref<!tpu.dma_semaphore, #tpu.memory_space<semaphore_mem>>) src(%dma_wait3A_750 : memref<1x4096xf32, #tpu.memory_space<hbm>>) dst(%dma_wait3A_748 : memref<1x4096xf32, #tpu.memory_space<vmem_shared>>)
    %mul3A_751 = arith.constant 32 : i32
    %mul3A_752 = arith.muli %arg0, %mul3A_751 : i32
    %dma_start3A_753 = arith.constant 11 : i32
    %dma_start3A_754 = arith.constant 11 : i32
    %dma_start3A_755 = arith.constant 0 : i32
    %dma_start3A_756 = arith.constant 0 : i32
    %dma_start3A_757 = tpu.memref_slice %arg2[%dma_start3A_754, %mul3A_752, %dma_start3A_755, %dma_start3A_756] : memref<13x64x4x128xf32, #tpu.memory_space<hbm>> -> memref<1x32x1x128xf32, #tpu.memory_space<hbm>>
    %dma_start3A_758 = tpu.memref_squeeze %dma_start3A_757 : memref<1x32x1x128xf32, #tpu.memory_space<hbm>> -> memref<32x128xf32, #tpu.memory_space<hbm>>
    %dma_start3A_759 = arith.constant 0 : i32
    %dma_start3A_760 = arith.constant 0 : i32
    %dma_start3A_761 = tpu.memref_slice %arg3[%dma_start3A_753, %dma_start3A_759, %dma_start3A_760] : memref<13x32x128xf32, #tpu.memory_space<vmem_shared>> -> memref<1x32x128xf32, #tpu.memory_space<vmem_shared>>
    %dma_start3A_762 = tpu.memref_squeeze %dma_start3A_761 : memref<1x32x128xf32, #tpu.memory_space<vmem_shared>> -> memref<32x128xf32, #tpu.memory_space<vmem_shared>>
    tpu.enqueue_dma source(%dma_start3A_762 : memref<32x128xf32, #tpu.memory_space<vmem_shared>>) target(%dma_start3A_758 : memref<32x128xf32, #tpu.memory_space<hbm>>) target_semaphore(%arg5 : memref<!tpu.dma_semaphore, #tpu.memory_space<semaphore_mem>>)
    %mul3A_763 = arith.constant 32 : i32
    %mul3A_764 = arith.muli %arg0, %mul3A_763 : i32
    %dma_start3A_765 = arith.constant 11 : i32
    %dma_start3A_766 = arith.constant 11 : i32
    %dma_start3A_767 = arith.constant 1 : i32
    %dma_start3A_768 = arith.constant 0 : i32
    %dma_start3A_769 = tpu.memref_slice %arg2[%dma_start3A_766, %mul3A_764, %dma_start3A_767, %dma_start3A_768] : memref<13x64x4x128xf32, #tpu.memory_space<hbm>> -> memref<1x32x1x128xf32, #tpu.memory_space<hbm>>
    %dma_start3A_770 = tpu.memref_squeeze %dma_start3A_769 : memref<1x32x1x128xf32, #tpu.memory_space<hbm>> -> memref<32x128xf32, #tpu.memory_space<hbm>>
    %dma_start3A_771 = arith.constant 0 : i32
    %dma_start3A_772 = arith.constant 0 : i32
    %dma_start3A_773 = tpu.memref_slice %arg3[%dma_start3A_765, %dma_start3A_771, %dma_start3A_772] : memref<13x32x128xf32, #tpu.memory_space<vmem_shared>> -> memref<1x32x128xf32, #tpu.memory_space<vmem_shared>>
    %dma_start3A_774 = tpu.memref_squeeze %dma_start3A_773 : memref<1x32x128xf32, #tpu.memory_space<vmem_shared>> -> memref<32x128xf32, #tpu.memory_space<vmem_shared>>
    tpu.enqueue_dma source(%dma_start3A_774 : memref<32x128xf32, #tpu.memory_space<vmem_shared>>) target(%dma_start3A_770 : memref<32x128xf32, #tpu.memory_space<hbm>>) target_semaphore(%arg5 : memref<!tpu.dma_semaphore, #tpu.memory_space<semaphore_mem>>)
    %mul3A_775 = arith.constant 32 : i32
    %mul3A_776 = arith.muli %arg0, %mul3A_775 : i32
    %dma_start3A_777 = arith.constant 11 : i32
    %dma_start3A_778 = arith.constant 11 : i32
    %dma_start3A_779 = arith.constant 2 : i32
    %dma_start3A_780 = arith.constant 0 : i32
    %dma_start3A_781 = tpu.memref_slice %arg2[%dma_start3A_778, %mul3A_776, %dma_start3A_779, %dma_start3A_780] : memref<13x64x4x128xf32, #tpu.memory_space<hbm>> -> memref<1x32x1x128xf32, #tpu.memory_space<hbm>>
    %dma_start3A_782 = tpu.memref_squeeze %dma_start3A_781 : memref<1x32x1x128xf32, #tpu.memory_space<hbm>> -> memref<32x128xf32, #tpu.memory_space<hbm>>
    %dma_start3A_783 = arith.constant 0 : i32
    %dma_start3A_784 = arith.constant 0 : i32
    %dma_start3A_785 = tpu.memref_slice %arg3[%dma_start3A_777, %dma_start3A_783, %dma_start3A_784] : memref<13x32x128xf32, #tpu.memory_space<vmem_shared>> -> memref<1x32x128xf32, #tpu.memory_space<vmem_shared>>
    %dma_start3A_786 = tpu.memref_squeeze %dma_start3A_785 : memref<1x32x128xf32, #tpu.memory_space<vmem_shared>> -> memref<32x128xf32, #tpu.memory_space<vmem_shared>>
    tpu.enqueue_dma source(%dma_start3A_786 : memref<32x128xf32, #tpu.memory_space<vmem_shared>>) target(%dma_start3A_782 : memref<32x128xf32, #tpu.memory_space<hbm>>) target_semaphore(%arg5 : memref<!tpu.dma_semaphore, #tpu.memory_space<semaphore_mem>>)
    %mul3A_787 = arith.constant 32 : i32
    %mul3A_788 = arith.muli %arg0, %mul3A_787 : i32
    %dma_start3A_789 = arith.constant 11 : i32
    %dma_start3A_790 = arith.constant 11 : i32
    %dma_start3A_791 = arith.constant 3 : i32
    %dma_start3A_792 = arith.constant 0 : i32
    %dma_start3A_793 = tpu.memref_slice %arg2[%dma_start3A_790, %mul3A_788, %dma_start3A_791, %dma_start3A_792] : memref<13x64x4x128xf32, #tpu.memory_space<hbm>> -> memref<1x32x1x128xf32, #tpu.memory_space<hbm>>
    %dma_start3A_794 = tpu.memref_squeeze %dma_start3A_793 : memref<1x32x1x128xf32, #tpu.memory_space<hbm>> -> memref<32x128xf32, #tpu.memory_space<hbm>>
    %dma_start3A_795 = arith.constant 0 : i32
    %dma_start3A_796 = arith.constant 0 : i32
    %dma_start3A_797 = tpu.memref_slice %arg3[%dma_start3A_789, %dma_start3A_795, %dma_start3A_796] : memref<13x32x128xf32, #tpu.memory_space<vmem_shared>> -> memref<1x32x128xf32, #tpu.memory_space<vmem_shared>>
    %dma_start3A_798 = tpu.memref_squeeze %dma_start3A_797 : memref<1x32x128xf32, #tpu.memory_space<vmem_shared>> -> memref<32x128xf32, #tpu.memory_space<vmem_shared>>
    tpu.enqueue_dma source(%dma_start3A_798 : memref<32x128xf32, #tpu.memory_space<vmem_shared>>) target(%dma_start3A_794 : memref<32x128xf32, #tpu.memory_space<hbm>>) target_semaphore(%arg5 : memref<!tpu.dma_semaphore, #tpu.memory_space<semaphore_mem>>)
    %dma_wait3A_799 = arith.constant 12 : i32
    %dma_wait3A_800 = arith.constant 0 : i32
    %dma_wait3A_801 = arith.constant 0 : i32
    %dma_wait3A_802 = tpu.memref_slice %arg3[%dma_wait3A_799, %dma_wait3A_800, %dma_wait3A_801] : memref<13x32x128xf32, #tpu.memory_space<vmem_shared>> -> memref<1x32x128xf32, #tpu.memory_space<vmem_shared>>
    %dma_wait3A_803 = tpu.memref_squeeze %dma_wait3A_802 : memref<1x32x128xf32, #tpu.memory_space<vmem_shared>> -> memref<32x128xf32, #tpu.memory_space<vmem_shared>>
    %dma_wait3A_804 = tpu.memref_reshape %dma_wait3A_803 : memref<32x128xf32, #tpu.memory_space<vmem_shared>> -> memref<1x4096xf32, #tpu.memory_space<vmem_shared>>
    %dma_wait3A_805 = arith.constant 12 : i32
    %dma_wait3A_806 = tpu.memref_slice %arg1[%dma_wait3A_805, %mul3A_119] : memref<13x8192xf32, #tpu.memory_space<hbm>> -> memref<1x4096xf32, #tpu.memory_space<hbm>>
    tpu.wait_dma2 semaphore(%arg4 : memref<!tpu.dma_semaphore, #tpu.memory_space<semaphore_mem>>) src(%dma_wait3A_806 : memref<1x4096xf32, #tpu.memory_space<hbm>>) dst(%dma_wait3A_804 : memref<1x4096xf32, #tpu.memory_space<vmem_shared>>)
    %mul3A_807 = arith.constant 32 : i32
    %mul3A_808 = arith.muli %arg0, %mul3A_807 : i32
    %dma_start3A_809 = arith.constant 12 : i32
    %dma_start3A_810 = arith.constant 12 : i32
    %dma_start3A_811 = arith.constant 0 : i32
    %dma_start3A_812 = arith.constant 0 : i32
    %dma_start3A_813 = tpu.memref_slice %arg2[%dma_start3A_810, %mul3A_808, %dma_start3A_811, %dma_start3A_812] : memref<13x64x4x128xf32, #tpu.memory_space<hbm>> -> memref<1x32x1x128xf32, #tpu.memory_space<hbm>>
    %dma_start3A_814 = tpu.memref_squeeze %dma_start3A_813 : memref<1x32x1x128xf32, #tpu.memory_space<hbm>> -> memref<32x128xf32, #tpu.memory_space<hbm>>
    %dma_start3A_815 = arith.constant 0 : i32
    %dma_start3A_816 = arith.constant 0 : i32
    %dma_start3A_817 = tpu.memref_slice %arg3[%dma_start3A_809, %dma_start3A_815, %dma_start3A_816] : memref<13x32x128xf32, #tpu.memory_space<vmem_shared>> -> memref<1x32x128xf32, #tpu.memory_space<vmem_shared>>
    %dma_start3A_818 = tpu.memref_squeeze %dma_start3A_817 : memref<1x32x128xf32, #tpu.memory_space<vmem_shared>> -> memref<32x128xf32, #tpu.memory_space<vmem_shared>>
    tpu.enqueue_dma source(%dma_start3A_818 : memref<32x128xf32, #tpu.memory_space<vmem_shared>>) target(%dma_start3A_814 : memref<32x128xf32, #tpu.memory_space<hbm>>) target_semaphore(%arg5 : memref<!tpu.dma_semaphore, #tpu.memory_space<semaphore_mem>>)
    %mul3A_819 = arith.constant 32 : i32
    %mul3A_820 = arith.muli %arg0, %mul3A_819 : i32
    %dma_start3A_821 = arith.constant 12 : i32
    %dma_start3A_822 = arith.constant 12 : i32
    %dma_start3A_823 = arith.constant 1 : i32
    %dma_start3A_824 = arith.constant 0 : i32
    %dma_start3A_825 = tpu.memref_slice %arg2[%dma_start3A_822, %mul3A_820, %dma_start3A_823, %dma_start3A_824] : memref<13x64x4x128xf32, #tpu.memory_space<hbm>> -> memref<1x32x1x128xf32, #tpu.memory_space<hbm>>
    %dma_start3A_826 = tpu.memref_squeeze %dma_start3A_825 : memref<1x32x1x128xf32, #tpu.memory_space<hbm>> -> memref<32x128xf32, #tpu.memory_space<hbm>>
    %dma_start3A_827 = arith.constant 0 : i32
    %dma_start3A_828 = arith.constant 0 : i32
    %dma_start3A_829 = tpu.memref_slice %arg3[%dma_start3A_821, %dma_start3A_827, %dma_start3A_828] : memref<13x32x128xf32, #tpu.memory_space<vmem_shared>> -> memref<1x32x128xf32, #tpu.memory_space<vmem_shared>>
    %dma_start3A_830 = tpu.memref_squeeze %dma_start3A_829 : memref<1x32x128xf32, #tpu.memory_space<vmem_shared>> -> memref<32x128xf32, #tpu.memory_space<vmem_shared>>
    tpu.enqueue_dma source(%dma_start3A_830 : memref<32x128xf32, #tpu.memory_space<vmem_shared>>) target(%dma_start3A_826 : memref<32x128xf32, #tpu.memory_space<hbm>>) target_semaphore(%arg5 : memref<!tpu.dma_semaphore, #tpu.memory_space<semaphore_mem>>)
    %mul3A_831 = arith.constant 32 : i32
    %mul3A_832 = arith.muli %arg0, %mul3A_831 : i32
    %dma_start3A_833 = arith.constant 12 : i32
    %dma_start3A_834 = arith.constant 12 : i32
    %dma_start3A_835 = arith.constant 2 : i32
    %dma_start3A_836 = arith.constant 0 : i32
    %dma_start3A_837 = tpu.memref_slice %arg2[%dma_start3A_834, %mul3A_832, %dma_start3A_835, %dma_start3A_836] : memref<13x64x4x128xf32, #tpu.memory_space<hbm>> -> memref<1x32x1x128xf32, #tpu.memory_space<hbm>>
    %dma_start3A_838 = tpu.memref_squeeze %dma_start3A_837 : memref<1x32x1x128xf32, #tpu.memory_space<hbm>> -> memref<32x128xf32, #tpu.memory_space<hbm>>
    %dma_start3A_839 = arith.constant 0 : i32
    %dma_start3A_840 = arith.constant 0 : i32
    %dma_start3A_841 = tpu.memref_slice %arg3[%dma_start3A_833, %dma_start3A_839, %dma_start3A_840] : memref<13x32x128xf32, #tpu.memory_space<vmem_shared>> -> memref<1x32x128xf32, #tpu.memory_space<vmem_shared>>
    %dma_start3A_842 = tpu.memref_squeeze %dma_start3A_841 : memref<1x32x128xf32, #tpu.memory_space<vmem_shared>> -> memref<32x128xf32, #tpu.memory_space<vmem_shared>>
    tpu.enqueue_dma source(%dma_start3A_842 : memref<32x128xf32, #tpu.memory_space<vmem_shared>>) target(%dma_start3A_838 : memref<32x128xf32, #tpu.memory_space<hbm>>) target_semaphore(%arg5 : memref<!tpu.dma_semaphore, #tpu.memory_space<semaphore_mem>>)
    %mul3A_843 = arith.constant 32 : i32
    %mul3A_844 = arith.muli %arg0, %mul3A_843 : i32
    %dma_start3A_845 = arith.constant 12 : i32
    %dma_start3A_846 = arith.constant 12 : i32
    %dma_start3A_847 = arith.constant 3 : i32
    %dma_start3A_848 = arith.constant 0 : i32
    %dma_start3A_849 = tpu.memref_slice %arg2[%dma_start3A_846, %mul3A_844, %dma_start3A_847, %dma_start3A_848] : memref<13x64x4x128xf32, #tpu.memory_space<hbm>> -> memref<1x32x1x128xf32, #tpu.memory_space<hbm>>
    %dma_start3A_850 = tpu.memref_squeeze %dma_start3A_849 : memref<1x32x1x128xf32, #tpu.memory_space<hbm>> -> memref<32x128xf32, #tpu.memory_space<hbm>>
    %dma_start3A_851 = arith.constant 0 : i32
    %dma_start3A_852 = arith.constant 0 : i32
    %dma_start3A_853 = tpu.memref_slice %arg3[%dma_start3A_845, %dma_start3A_851, %dma_start3A_852] : memref<13x32x128xf32, #tpu.memory_space<vmem_shared>> -> memref<1x32x128xf32, #tpu.memory_space<vmem_shared>>
    %dma_start3A_854 = tpu.memref_squeeze %dma_start3A_853 : memref<1x32x128xf32, #tpu.memory_space<vmem_shared>> -> memref<32x128xf32, #tpu.memory_space<vmem_shared>>
    tpu.enqueue_dma source(%dma_start3A_854 : memref<32x128xf32, #tpu.memory_space<vmem_shared>>) target(%dma_start3A_850 : memref<32x128xf32, #tpu.memory_space<hbm>>) target_semaphore(%arg5 : memref<!tpu.dma_semaphore, #tpu.memory_space<semaphore_mem>>)
    %dma_wait3A_855 = arith.constant 0 : i32
    %dma_wait3A_856 = arith.constant 0 : i32
    %dma_wait3A_857 = arith.constant 0 : i32
    %dma_wait3A_858 = arith.constant 0 : i32
    %dma_wait3A_859 = tpu.memref_slice %arg2[%dma_wait3A_856, %mul3A_136, %dma_wait3A_857, %dma_wait3A_858] : memref<13x64x4x128xf32, #tpu.memory_space<hbm>> -> memref<1x32x1x128xf32, #tpu.memory_space<hbm>>
    %dma_wait3A_860 = tpu.memref_squeeze %dma_wait3A_859 : memref<1x32x1x128xf32, #tpu.memory_space<hbm>> -> memref<32x128xf32, #tpu.memory_space<hbm>>
    %dma_wait3A_861 = arith.constant 0 : i32
    %dma_wait3A_862 = arith.constant 0 : i32
    %dma_wait3A_863 = tpu.memref_slice %arg3[%dma_wait3A_855, %dma_wait3A_861, %dma_wait3A_862] : memref<13x32x128xf32, #tpu.memory_space<vmem_shared>> -> memref<1x32x128xf32, #tpu.memory_space<vmem_shared>>
    %dma_wait3A_864 = tpu.memref_squeeze %dma_wait3A_863 : memref<1x32x128xf32, #tpu.memory_space<vmem_shared>> -> memref<32x128xf32, #tpu.memory_space<vmem_shared>>
    tpu.wait_dma2 semaphore(%arg5 : memref<!tpu.dma_semaphore, #tpu.memory_space<semaphore_mem>>) src(%dma_wait3A_864 : memref<32x128xf32, #tpu.memory_space<vmem_shared>>) dst(%dma_wait3A_860 : memref<32x128xf32, #tpu.memory_space<hbm>>)
    %dma_wait3A_865 = arith.constant 0 : i32
    %dma_wait3A_866 = arith.constant 0 : i32
    %dma_wait3A_867 = arith.constant 1 : i32
    %dma_wait3A_868 = arith.constant 0 : i32
    %dma_wait3A_869 = tpu.memref_slice %arg2[%dma_wait3A_866, %mul3A_148, %dma_wait3A_867, %dma_wait3A_868] : memref<13x64x4x128xf32, #tpu.memory_space<hbm>> -> memref<1x32x1x128xf32, #tpu.memory_space<hbm>>
    %dma_wait3A_870 = tpu.memref_squeeze %dma_wait3A_869 : memref<1x32x1x128xf32, #tpu.memory_space<hbm>> -> memref<32x128xf32, #tpu.memory_space<hbm>>
    %dma_wait3A_871 = arith.constant 0 : i32
    %dma_wait3A_872 = arith.constant 0 : i32
    %dma_wait3A_873 = tpu.memref_slice %arg3[%dma_wait3A_865, %dma_wait3A_871, %dma_wait3A_872] : memref<13x32x128xf32, #tpu.memory_space<vmem_shared>> -> memref<1x32x128xf32, #tpu.memory_space<vmem_shared>>
    %dma_wait3A_874 = tpu.memref_squeeze %dma_wait3A_873 : memref<1x32x128xf32, #tpu.memory_space<vmem_shared>> -> memref<32x128xf32, #tpu.memory_space<vmem_shared>>
    tpu.wait_dma2 semaphore(%arg5 : memref<!tpu.dma_semaphore, #tpu.memory_space<semaphore_mem>>) src(%dma_wait3A_874 : memref<32x128xf32, #tpu.memory_space<vmem_shared>>) dst(%dma_wait3A_870 : memref<32x128xf32, #tpu.memory_space<hbm>>)
    %dma_wait3A_875 = arith.constant 0 : i32
    %dma_wait3A_876 = arith.constant 0 : i32
    %dma_wait3A_877 = arith.constant 2 : i32
    %dma_wait3A_878 = arith.constant 0 : i32
    %dma_wait3A_879 = tpu.memref_slice %arg2[%dma_wait3A_876, %mul3A_160, %dma_wait3A_877, %dma_wait3A_878] : memref<13x64x4x128xf32, #tpu.memory_space<hbm>> -> memref<1x32x1x128xf32, #tpu.memory_space<hbm>>
    %dma_wait3A_880 = tpu.memref_squeeze %dma_wait3A_879 : memref<1x32x1x128xf32, #tpu.memory_space<hbm>> -> memref<32x128xf32, #tpu.memory_space<hbm>>
    %dma_wait3A_881 = arith.constant 0 : i32
    %dma_wait3A_882 = arith.constant 0 : i32
    %dma_wait3A_883 = tpu.memref_slice %arg3[%dma_wait3A_875, %dma_wait3A_881, %dma_wait3A_882] : memref<13x32x128xf32, #tpu.memory_space<vmem_shared>> -> memref<1x32x128xf32, #tpu.memory_space<vmem_shared>>
    %dma_wait3A_884 = tpu.memref_squeeze %dma_wait3A_883 : memref<1x32x128xf32, #tpu.memory_space<vmem_shared>> -> memref<32x128xf32, #tpu.memory_space<vmem_shared>>
    tpu.wait_dma2 semaphore(%arg5 : memref<!tpu.dma_semaphore, #tpu.memory_space<semaphore_mem>>) src(%dma_wait3A_884 : memref<32x128xf32, #tpu.memory_space<vmem_shared>>) dst(%dma_wait3A_880 : memref<32x128xf32, #tpu.memory_space<hbm>>)
    %dma_wait3A_885 = arith.constant 0 : i32
    %dma_wait3A_886 = arith.constant 0 : i32
    %dma_wait3A_887 = arith.constant 3 : i32
    %dma_wait3A_888 = arith.constant 0 : i32
    %dma_wait3A_889 = tpu.memref_slice %arg2[%dma_wait3A_886, %mul3A_172, %dma_wait3A_887, %dma_wait3A_888] : memref<13x64x4x128xf32, #tpu.memory_space<hbm>> -> memref<1x32x1x128xf32, #tpu.memory_space<hbm>>
    %dma_wait3A_890 = tpu.memref_squeeze %dma_wait3A_889 : memref<1x32x1x128xf32, #tpu.memory_space<hbm>> -> memref<32x128xf32, #tpu.memory_space<hbm>>
    %dma_wait3A_891 = arith.constant 0 : i32
    %dma_wait3A_892 = arith.constant 0 : i32
    %dma_wait3A_893 = tpu.memref_slice %arg3[%dma_wait3A_885, %dma_wait3A_891, %dma_wait3A_892] : memref<13x32x128xf32, #tpu.memory_space<vmem_shared>> -> memref<1x32x128xf32, #tpu.memory_space<vmem_shared>>
    %dma_wait3A_894 = tpu.memref_squeeze %dma_wait3A_893 : memref<1x32x128xf32, #tpu.memory_space<vmem_shared>> -> memref<32x128xf32, #tpu.memory_space<vmem_shared>>
    tpu.wait_dma2 semaphore(%arg5 : memref<!tpu.dma_semaphore, #tpu.memory_space<semaphore_mem>>) src(%dma_wait3A_894 : memref<32x128xf32, #tpu.memory_space<vmem_shared>>) dst(%dma_wait3A_890 : memref<32x128xf32, #tpu.memory_space<hbm>>)
    %dma_wait3A_895 = arith.constant 1 : i32
    %dma_wait3A_896 = arith.constant 1 : i32
    %dma_wait3A_897 = arith.constant 0 : i32
    %dma_wait3A_898 = arith.constant 0 : i32
    %dma_wait3A_899 = tpu.memref_slice %arg2[%dma_wait3A_896, %mul3A_192, %dma_wait3A_897, %dma_wait3A_898] : memref<13x64x4x128xf32, #tpu.memory_space<hbm>> -> memref<1x32x1x128xf32, #tpu.memory_space<hbm>>
    %dma_wait3A_900 = tpu.memref_squeeze %dma_wait3A_899 : memref<1x32x1x128xf32, #tpu.memory_space<hbm>> -> memref<32x128xf32, #tpu.memory_space<hbm>>
    %dma_wait3A_901 = arith.constant 0 : i32
    %dma_wait3A_902 = arith.constant 0 : i32
    %dma_wait3A_903 = tpu.memref_slice %arg3[%dma_wait3A_895, %dma_wait3A_901, %dma_wait3A_902] : memref<13x32x128xf32, #tpu.memory_space<vmem_shared>> -> memref<1x32x128xf32, #tpu.memory_space<vmem_shared>>
    %dma_wait3A_904 = tpu.memref_squeeze %dma_wait3A_903 : memref<1x32x128xf32, #tpu.memory_space<vmem_shared>> -> memref<32x128xf32, #tpu.memory_space<vmem_shared>>
    tpu.wait_dma2 semaphore(%arg5 : memref<!tpu.dma_semaphore, #tpu.memory_space<semaphore_mem>>) src(%dma_wait3A_904 : memref<32x128xf32, #tpu.memory_space<vmem_shared>>) dst(%dma_wait3A_900 : memref<32x128xf32, #tpu.memory_space<hbm>>)
    %dma_wait3A_905 = arith.constant 1 : i32
    %dma_wait3A_906 = arith.constant 1 : i32
    %dma_wait3A_907 = arith.constant 1 : i32
    %dma_wait3A_908 = arith.constant 0 : i32
    %dma_wait3A_909 = tpu.memref_slice %arg2[%dma_wait3A_906, %mul3A_204, %dma_wait3A_907, %dma_wait3A_908] : memref<13x64x4x128xf32, #tpu.memory_space<hbm>> -> memref<1x32x1x128xf32, #tpu.memory_space<hbm>>
    %dma_wait3A_910 = tpu.memref_squeeze %dma_wait3A_909 : memref<1x32x1x128xf32, #tpu.memory_space<hbm>> -> memref<32x128xf32, #tpu.memory_space<hbm>>
    %dma_wait3A_911 = arith.constant 0 : i32
    %dma_wait3A_912 = arith.constant 0 : i32
    %dma_wait3A_913 = tpu.memref_slice %arg3[%dma_wait3A_905, %dma_wait3A_911, %dma_wait3A_912] : memref<13x32x128xf32, #tpu.memory_space<vmem_shared>> -> memref<1x32x128xf32, #tpu.memory_space<vmem_shared>>
    %dma_wait3A_914 = tpu.memref_squeeze %dma_wait3A_913 : memref<1x32x128xf32, #tpu.memory_space<vmem_shared>> -> memref<32x128xf32, #tpu.memory_space<vmem_shared>>
    tpu.wait_dma2 semaphore(%arg5 : memref<!tpu.dma_semaphore, #tpu.memory_space<semaphore_mem>>) src(%dma_wait3A_914 : memref<32x128xf32, #tpu.memory_space<vmem_shared>>) dst(%dma_wait3A_910 : memref<32x128xf32, #tpu.memory_space<hbm>>)
    %dma_wait3A_915 = arith.constant 1 : i32
    %dma_wait3A_916 = arith.constant 1 : i32
    %dma_wait3A_917 = arith.constant 2 : i32
    %dma_wait3A_918 = arith.constant 0 : i32
    %dma_wait3A_919 = tpu.memref_slice %arg2[%dma_wait3A_916, %mul3A_216, %dma_wait3A_917, %dma_wait3A_918] : memref<13x64x4x128xf32, #tpu.memory_space<hbm>> -> memref<1x32x1x128xf32, #tpu.memory_space<hbm>>
    %dma_wait3A_920 = tpu.memref_squeeze %dma_wait3A_919 : memref<1x32x1x128xf32, #tpu.memory_space<hbm>> -> memref<32x128xf32, #tpu.memory_space<hbm>>
    %dma_wait3A_921 = arith.constant 0 : i32
    %dma_wait3A_922 = arith.constant 0 : i32
    %dma_wait3A_923 = tpu.memref_slice %arg3[%dma_wait3A_915, %dma_wait3A_921, %dma_wait3A_922] : memref<13x32x128xf32, #tpu.memory_space<vmem_shared>> -> memref<1x32x128xf32, #tpu.memory_space<vmem_shared>>
    %dma_wait3A_924 = tpu.memref_squeeze %dma_wait3A_923 : memref<1x32x128xf32, #tpu.memory_space<vmem_shared>> -> memref<32x128xf32, #tpu.memory_space<vmem_shared>>
    tpu.wait_dma2 semaphore(%arg5 : memref<!tpu.dma_semaphore, #tpu.memory_space<semaphore_mem>>) src(%dma_wait3A_924 : memref<32x128xf32, #tpu.memory_space<vmem_shared>>) dst(%dma_wait3A_920 : memref<32x128xf32, #tpu.memory_space<hbm>>)
    %dma_wait3A_925 = arith.constant 1 : i32
    %dma_wait3A_926 = arith.constant 1 : i32
    %dma_wait3A_927 = arith.constant 3 : i32
    %dma_wait3A_928 = arith.constant 0 : i32
    %dma_wait3A_929 = tpu.memref_slice %arg2[%dma_wait3A_926, %mul3A_228, %dma_wait3A_927, %dma_wait3A_928] : memref<13x64x4x128xf32, #tpu.memory_space<hbm>> -> memref<1x32x1x128xf32, #tpu.memory_space<hbm>>
    %dma_wait3A_930 = tpu.memref_squeeze %dma_wait3A_929 : memref<1x32x1x128xf32, #tpu.memory_space<hbm>> -> memref<32x128xf32, #tpu.memory_space<hbm>>
    %dma_wait3A_931 = arith.constant 0 : i32
    %dma_wait3A_932 = arith.constant 0 : i32
    %dma_wait3A_933 = tpu.memref_slice %arg3[%dma_wait3A_925, %dma_wait3A_931, %dma_wait3A_932] : memref<13x32x128xf32, #tpu.memory_space<vmem_shared>> -> memref<1x32x128xf32, #tpu.memory_space<vmem_shared>>
    %dma_wait3A_934 = tpu.memref_squeeze %dma_wait3A_933 : memref<1x32x128xf32, #tpu.memory_space<vmem_shared>> -> memref<32x128xf32, #tpu.memory_space<vmem_shared>>
    tpu.wait_dma2 semaphore(%arg5 : memref<!tpu.dma_semaphore, #tpu.memory_space<semaphore_mem>>) src(%dma_wait3A_934 : memref<32x128xf32, #tpu.memory_space<vmem_shared>>) dst(%dma_wait3A_930 : memref<32x128xf32, #tpu.memory_space<hbm>>)
    %dma_wait3A_935 = arith.constant 2 : i32
    %dma_wait3A_936 = arith.constant 2 : i32
    %dma_wait3A_937 = arith.constant 0 : i32
    %dma_wait3A_938 = arith.constant 0 : i32
    %dma_wait3A_939 = tpu.memref_slice %arg2[%dma_wait3A_936, %mul3A_248, %dma_wait3A_937, %dma_wait3A_938] : memref<13x64x4x128xf32, #tpu.memory_space<hbm>> -> memref<1x32x1x128xf32, #tpu.memory_space<hbm>>
    %dma_wait3A_940 = tpu.memref_squeeze %dma_wait3A_939 : memref<1x32x1x128xf32, #tpu.memory_space<hbm>> -> memref<32x128xf32, #tpu.memory_space<hbm>>
    %dma_wait3A_941 = arith.constant 0 : i32
    %dma_wait3A_942 = arith.constant 0 : i32
    %dma_wait3A_943 = tpu.memref_slice %arg3[%dma_wait3A_935, %dma_wait3A_941, %dma_wait3A_942] : memref<13x32x128xf32, #tpu.memory_space<vmem_shared>> -> memref<1x32x128xf32, #tpu.memory_space<vmem_shared>>
    %dma_wait3A_944 = tpu.memref_squeeze %dma_wait3A_943 : memref<1x32x128xf32, #tpu.memory_space<vmem_shared>> -> memref<32x128xf32, #tpu.memory_space<vmem_shared>>
    tpu.wait_dma2 semaphore(%arg5 : memref<!tpu.dma_semaphore, #tpu.memory_space<semaphore_mem>>) src(%dma_wait3A_944 : memref<32x128xf32, #tpu.memory_space<vmem_shared>>) dst(%dma_wait3A_940 : memref<32x128xf32, #tpu.memory_space<hbm>>)
    %dma_wait3A_945 = arith.constant 2 : i32
    %dma_wait3A_946 = arith.constant 2 : i32
    %dma_wait3A_947 = arith.constant 1 : i32
    %dma_wait3A_948 = arith.constant 0 : i32
    %dma_wait3A_949 = tpu.memref_slice %arg2[%dma_wait3A_946, %mul3A_260, %dma_wait3A_947, %dma_wait3A_948] : memref<13x64x4x128xf32, #tpu.memory_space<hbm>> -> memref<1x32x1x128xf32, #tpu.memory_space<hbm>>
    %dma_wait3A_950 = tpu.memref_squeeze %dma_wait3A_949 : memref<1x32x1x128xf32, #tpu.memory_space<hbm>> -> memref<32x128xf32, #tpu.memory_space<hbm>>
    %dma_wait3A_951 = arith.constant 0 : i32
    %dma_wait3A_952 = arith.constant 0 : i32
    %dma_wait3A_953 = tpu.memref_slice %arg3[%dma_wait3A_945, %dma_wait3A_951, %dma_wait3A_952] : memref<13x32x128xf32, #tpu.memory_space<vmem_shared>> -> memref<1x32x128xf32, #tpu.memory_space<vmem_shared>>
    %dma_wait3A_954 = tpu.memref_squeeze %dma_wait3A_953 : memref<1x32x128xf32, #tpu.memory_space<vmem_shared>> -> memref<32x128xf32, #tpu.memory_space<vmem_shared>>
    tpu.wait_dma2 semaphore(%arg5 : memref<!tpu.dma_semaphore, #tpu.memory_space<semaphore_mem>>) src(%dma_wait3A_954 : memref<32x128xf32, #tpu.memory_space<vmem_shared>>) dst(%dma_wait3A_950 : memref<32x128xf32, #tpu.memory_space<hbm>>)
    %dma_wait3A_955 = arith.constant 2 : i32
    %dma_wait3A_956 = arith.constant 2 : i32
    %dma_wait3A_957 = arith.constant 2 : i32
    %dma_wait3A_958 = arith.constant 0 : i32
    %dma_wait3A_959 = tpu.memref_slice %arg2[%dma_wait3A_956, %mul3A_272, %dma_wait3A_957, %dma_wait3A_958] : memref<13x64x4x128xf32, #tpu.memory_space<hbm>> -> memref<1x32x1x128xf32, #tpu.memory_space<hbm>>
    %dma_wait3A_960 = tpu.memref_squeeze %dma_wait3A_959 : memref<1x32x1x128xf32, #tpu.memory_space<hbm>> -> memref<32x128xf32, #tpu.memory_space<hbm>>
    %dma_wait3A_961 = arith.constant 0 : i32
    %dma_wait3A_962 = arith.constant 0 : i32
    %dma_wait3A_963 = tpu.memref_slice %arg3[%dma_wait3A_955, %dma_wait3A_961, %dma_wait3A_962] : memref<13x32x128xf32, #tpu.memory_space<vmem_shared>> -> memref<1x32x128xf32, #tpu.memory_space<vmem_shared>>
    %dma_wait3A_964 = tpu.memref_squeeze %dma_wait3A_963 : memref<1x32x128xf32, #tpu.memory_space<vmem_shared>> -> memref<32x128xf32, #tpu.memory_space<vmem_shared>>
    tpu.wait_dma2 semaphore(%arg5 : memref<!tpu.dma_semaphore, #tpu.memory_space<semaphore_mem>>) src(%dma_wait3A_964 : memref<32x128xf32, #tpu.memory_space<vmem_shared>>) dst(%dma_wait3A_960 : memref<32x128xf32, #tpu.memory_space<hbm>>)
    %dma_wait3A_965 = arith.constant 2 : i32
    %dma_wait3A_966 = arith.constant 2 : i32
    %dma_wait3A_967 = arith.constant 3 : i32
    %dma_wait3A_968 = arith.constant 0 : i32
    %dma_wait3A_969 = tpu.memref_slice %arg2[%dma_wait3A_966, %mul3A_284, %dma_wait3A_967, %dma_wait3A_968] : memref<13x64x4x128xf32, #tpu.memory_space<hbm>> -> memref<1x32x1x128xf32, #tpu.memory_space<hbm>>
    %dma_wait3A_970 = tpu.memref_squeeze %dma_wait3A_969 : memref<1x32x1x128xf32, #tpu.memory_space<hbm>> -> memref<32x128xf32, #tpu.memory_space<hbm>>
    %dma_wait3A_971 = arith.constant 0 : i32
    %dma_wait3A_972 = arith.constant 0 : i32
    %dma_wait3A_973 = tpu.memref_slice %arg3[%dma_wait3A_965, %dma_wait3A_971, %dma_wait3A_972] : memref<13x32x128xf32, #tpu.memory_space<vmem_shared>> -> memref<1x32x128xf32, #tpu.memory_space<vmem_shared>>
    %dma_wait3A_974 = tpu.memref_squeeze %dma_wait3A_973 : memref<1x32x128xf32, #tpu.memory_space<vmem_shared>> -> memref<32x128xf32, #tpu.memory_space<vmem_shared>>
    tpu.wait_dma2 semaphore(%arg5 : memref<!tpu.dma_semaphore, #tpu.memory_space<semaphore_mem>>) src(%dma_wait3A_974 : memref<32x128xf32, #tpu.memory_space<vmem_shared>>) dst(%dma_wait3A_970 : memref<32x128xf32, #tpu.memory_space<hbm>>)
    %dma_wait3A_975 = arith.constant 3 : i32
    %dma_wait3A_976 = arith.constant 3 : i32
    %dma_wait3A_977 = arith.constant 0 : i32
    %dma_wait3A_978 = arith.constant 0 : i32
    %dma_wait3A_979 = tpu.memref_slice %arg2[%dma_wait3A_976, %mul3A_304, %dma_wait3A_977, %dma_wait3A_978] : memref<13x64x4x128xf32, #tpu.memory_space<hbm>> -> memref<1x32x1x128xf32, #tpu.memory_space<hbm>>
    %dma_wait3A_980 = tpu.memref_squeeze %dma_wait3A_979 : memref<1x32x1x128xf32, #tpu.memory_space<hbm>> -> memref<32x128xf32, #tpu.memory_space<hbm>>
    %dma_wait3A_981 = arith.constant 0 : i32
    %dma_wait3A_982 = arith.constant 0 : i32
    %dma_wait3A_983 = tpu.memref_slice %arg3[%dma_wait3A_975, %dma_wait3A_981, %dma_wait3A_982] : memref<13x32x128xf32, #tpu.memory_space<vmem_shared>> -> memref<1x32x128xf32, #tpu.memory_space<vmem_shared>>
    %dma_wait3A_984 = tpu.memref_squeeze %dma_wait3A_983 : memref<1x32x128xf32, #tpu.memory_space<vmem_shared>> -> memref<32x128xf32, #tpu.memory_space<vmem_shared>>
    tpu.wait_dma2 semaphore(%arg5 : memref<!tpu.dma_semaphore, #tpu.memory_space<semaphore_mem>>) src(%dma_wait3A_984 : memref<32x128xf32, #tpu.memory_space<vmem_shared>>) dst(%dma_wait3A_980 : memref<32x128xf32, #tpu.memory_space<hbm>>)
    %dma_wait3A_985 = arith.constant 3 : i32
    %dma_wait3A_986 = arith.constant 3 : i32
    %dma_wait3A_987 = arith.constant 1 : i32
    %dma_wait3A_988 = arith.constant 0 : i32
    %dma_wait3A_989 = tpu.memref_slice %arg2[%dma_wait3A_986, %mul3A_316, %dma_wait3A_987, %dma_wait3A_988] : memref<13x64x4x128xf32, #tpu.memory_space<hbm>> -> memref<1x32x1x128xf32, #tpu.memory_space<hbm>>
    %dma_wait3A_990 = tpu.memref_squeeze %dma_wait3A_989 : memref<1x32x1x128xf32, #tpu.memory_space<hbm>> -> memref<32x128xf32, #tpu.memory_space<hbm>>
    %dma_wait3A_991 = arith.constant 0 : i32
    %dma_wait3A_992 = arith.constant 0 : i32
    %dma_wait3A_993 = tpu.memref_slice %arg3[%dma_wait3A_985, %dma_wait3A_991, %dma_wait3A_992] : memref<13x32x128xf32, #tpu.memory_space<vmem_shared>> -> memref<1x32x128xf32, #tpu.memory_space<vmem_shared>>
    %dma_wait3A_994 = tpu.memref_squeeze %dma_wait3A_993 : memref<1x32x128xf32, #tpu.memory_space<vmem_shared>> -> memref<32x128xf32, #tpu.memory_space<vmem_shared>>
    tpu.wait_dma2 semaphore(%arg5 : memref<!tpu.dma_semaphore, #tpu.memory_space<semaphore_mem>>) src(%dma_wait3A_994 : memref<32x128xf32, #tpu.memory_space<vmem_shared>>) dst(%dma_wait3A_990 : memref<32x128xf32, #tpu.memory_space<hbm>>)
    %dma_wait3A_995 = arith.constant 3 : i32
    %dma_wait3A_996 = arith.constant 3 : i32
    %dma_wait3A_997 = arith.constant 2 : i32
    %dma_wait3A_998 = arith.constant 0 : i32
    %dma_wait3A_999 = tpu.memref_slice %arg2[%dma_wait3A_996, %mul3A_328, %dma_wait3A_997, %dma_wait3A_998] : memref<13x64x4x128xf32, #tpu.memory_space<hbm>> -> memref<1x32x1x128xf32, #tpu.memory_space<hbm>>
    %dma_wait3A_1000 = tpu.memref_squeeze %dma_wait3A_999 : memref<1x32x1x128xf32, #tpu.memory_space<hbm>> -> memref<32x128xf32, #tpu.memory_space<hbm>>
    %dma_wait3A_1001 = arith.constant 0 : i32
    %dma_wait3A_1002 = arith.constant 0 : i32
    %dma_wait3A_1003 = tpu.memref_slice %arg3[%dma_wait3A_995, %dma_wait3A_1001, %dma_wait3A_1002] : memref<13x32x128xf32, #tpu.memory_space<vmem_shared>> -> memref<1x32x128xf32, #tpu.memory_space<vmem_shared>>
    %dma_wait3A_1004 = tpu.memref_squeeze %dma_wait3A_1003 : memref<1x32x128xf32, #tpu.memory_space<vmem_shared>> -> memref<32x128xf32, #tpu.memory_space<vmem_shared>>
    tpu.wait_dma2 semaphore(%arg5 : memref<!tpu.dma_semaphore, #tpu.memory_space<semaphore_mem>>) src(%dma_wait3A_1004 : memref<32x128xf32, #tpu.memory_space<vmem_shared>>) dst(%dma_wait3A_1000 : memref<32x128xf32, #tpu.memory_space<hbm>>)
    %dma_wait3A_1005 = arith.constant 3 : i32
    %dma_wait3A_1006 = arith.constant 3 : i32
    %dma_wait3A_1007 = arith.constant 3 : i32
    %dma_wait3A_1008 = arith.constant 0 : i32
    %dma_wait3A_1009 = tpu.memref_slice %arg2[%dma_wait3A_1006, %mul3A_340, %dma_wait3A_1007, %dma_wait3A_1008] : memref<13x64x4x128xf32, #tpu.memory_space<hbm>> -> memref<1x32x1x128xf32, #tpu.memory_space<hbm>>
    %dma_wait3A_1010 = tpu.memref_squeeze %dma_wait3A_1009 : memref<1x32x1x128xf32, #tpu.memory_space<hbm>> -> memref<32x128xf32, #tpu.memory_space<hbm>>
    %dma_wait3A_1011 = arith.constant 0 : i32
    %dma_wait3A_1012 = arith.constant 0 : i32
    %dma_wait3A_1013 = tpu.memref_slice %arg3[%dma_wait3A_1005, %dma_wait3A_1011, %dma_wait3A_1012] : memref<13x32x128xf32, #tpu.memory_space<vmem_shared>> -> memref<1x32x128xf32, #tpu.memory_space<vmem_shared>>
    %dma_wait3A_1014 = tpu.memref_squeeze %dma_wait3A_1013 : memref<1x32x128xf32, #tpu.memory_space<vmem_shared>> -> memref<32x128xf32, #tpu.memory_space<vmem_shared>>
    tpu.wait_dma2 semaphore(%arg5 : memref<!tpu.dma_semaphore, #tpu.memory_space<semaphore_mem>>) src(%dma_wait3A_1014 : memref<32x128xf32, #tpu.memory_space<vmem_shared>>) dst(%dma_wait3A_1010 : memref<32x128xf32, #tpu.memory_space<hbm>>)
    %dma_wait3A_1015 = arith.constant 4 : i32
    %dma_wait3A_1016 = arith.constant 4 : i32
    %dma_wait3A_1017 = arith.constant 0 : i32
    %dma_wait3A_1018 = arith.constant 0 : i32
    %dma_wait3A_1019 = tpu.memref_slice %arg2[%dma_wait3A_1016, %mul3A_360, %dma_wait3A_1017, %dma_wait3A_1018] : memref<13x64x4x128xf32, #tpu.memory_space<hbm>> -> memref<1x32x1x128xf32, #tpu.memory_space<hbm>>
    %dma_wait3A_1020 = tpu.memref_squeeze %dma_wait3A_1019 : memref<1x32x1x128xf32, #tpu.memory_space<hbm>> -> memref<32x128xf32, #tpu.memory_space<hbm>>
    %dma_wait3A_1021 = arith.constant 0 : i32
    %dma_wait3A_1022 = arith.constant 0 : i32
    %dma_wait3A_1023 = tpu.memref_slice %arg3[%dma_wait3A_1015, %dma_wait3A_1021, %dma_wait3A_1022] : memref<13x32x128xf32, #tpu.memory_space<vmem_shared>> -> memref<1x32x128xf32, #tpu.memory_space<vmem_shared>>
    %dma_wait3A_1024 = tpu.memref_squeeze %dma_wait3A_1023 : memref<1x32x128xf32, #tpu.memory_space<vmem_shared>> -> memref<32x128xf32, #tpu.memory_space<vmem_shared>>
    tpu.wait_dma2 semaphore(%arg5 : memref<!tpu.dma_semaphore, #tpu.memory_space<semaphore_mem>>) src(%dma_wait3A_1024 : memref<32x128xf32, #tpu.memory_space<vmem_shared>>) dst(%dma_wait3A_1020 : memref<32x128xf32, #tpu.memory_space<hbm>>)
    %dma_wait3A_1025 = arith.constant 4 : i32
    %dma_wait3A_1026 = arith.constant 4 : i32
    %dma_wait3A_1027 = arith.constant 1 : i32
    %dma_wait3A_1028 = arith.constant 0 : i32
    %dma_wait3A_1029 = tpu.memref_slice %arg2[%dma_wait3A_1026, %mul3A_372, %dma_wait3A_1027, %dma_wait3A_1028] : memref<13x64x4x128xf32, #tpu.memory_space<hbm>> -> memref<1x32x1x128xf32, #tpu.memory_space<hbm>>
    %dma_wait3A_1030 = tpu.memref_squeeze %dma_wait3A_1029 : memref<1x32x1x128xf32, #tpu.memory_space<hbm>> -> memref<32x128xf32, #tpu.memory_space<hbm>>
    %dma_wait3A_1031 = arith.constant 0 : i32
    %dma_wait3A_1032 = arith.constant 0 : i32
    %dma_wait3A_1033 = tpu.memref_slice %arg3[%dma_wait3A_1025, %dma_wait3A_1031, %dma_wait3A_1032] : memref<13x32x128xf32, #tpu.memory_space<vmem_shared>> -> memref<1x32x128xf32, #tpu.memory_space<vmem_shared>>
    %dma_wait3A_1034 = tpu.memref_squeeze %dma_wait3A_1033 : memref<1x32x128xf32, #tpu.memory_space<vmem_shared>> -> memref<32x128xf32, #tpu.memory_space<vmem_shared>>
    tpu.wait_dma2 semaphore(%arg5 : memref<!tpu.dma_semaphore, #tpu.memory_space<semaphore_mem>>) src(%dma_wait3A_1034 : memref<32x128xf32, #tpu.memory_space<vmem_shared>>) dst(%dma_wait3A_1030 : memref<32x128xf32, #tpu.memory_space<hbm>>)
    %dma_wait3A_1035 = arith.constant 4 : i32
    %dma_wait3A_1036 = arith.constant 4 : i32
    %dma_wait3A_1037 = arith.constant 2 : i32
    %dma_wait3A_1038 = arith.constant 0 : i32
    %dma_wait3A_1039 = tpu.memref_slice %arg2[%dma_wait3A_1036, %mul3A_384, %dma_wait3A_1037, %dma_wait3A_1038] : memref<13x64x4x128xf32, #tpu.memory_space<hbm>> -> memref<1x32x1x128xf32, #tpu.memory_space<hbm>>
    %dma_wait3A_1040 = tpu.memref_squeeze %dma_wait3A_1039 : memref<1x32x1x128xf32, #tpu.memory_space<hbm>> -> memref<32x128xf32, #tpu.memory_space<hbm>>
    %dma_wait3A_1041 = arith.constant 0 : i32
    %dma_wait3A_1042 = arith.constant 0 : i32
    %dma_wait3A_1043 = tpu.memref_slice %arg3[%dma_wait3A_1035, %dma_wait3A_1041, %dma_wait3A_1042] : memref<13x32x128xf32, #tpu.memory_space<vmem_shared>> -> memref<1x32x128xf32, #tpu.memory_space<vmem_shared>>
    %dma_wait3A_1044 = tpu.memref_squeeze %dma_wait3A_1043 : memref<1x32x128xf32, #tpu.memory_space<vmem_shared>> -> memref<32x128xf32, #tpu.memory_space<vmem_shared>>
    tpu.wait_dma2 semaphore(%arg5 : memref<!tpu.dma_semaphore, #tpu.memory_space<semaphore_mem>>) src(%dma_wait3A_1044 : memref<32x128xf32, #tpu.memory_space<vmem_shared>>) dst(%dma_wait3A_1040 : memref<32x128xf32, #tpu.memory_space<hbm>>)
    %dma_wait3A_1045 = arith.constant 4 : i32
    %dma_wait3A_1046 = arith.constant 4 : i32
    %dma_wait3A_1047 = arith.constant 3 : i32
    %dma_wait3A_1048 = arith.constant 0 : i32
    %dma_wait3A_1049 = tpu.memref_slice %arg2[%dma_wait3A_1046, %mul3A_396, %dma_wait3A_1047, %dma_wait3A_1048] : memref<13x64x4x128xf32, #tpu.memory_space<hbm>> -> memref<1x32x1x128xf32, #tpu.memory_space<hbm>>
    %dma_wait3A_1050 = tpu.memref_squeeze %dma_wait3A_1049 : memref<1x32x1x128xf32, #tpu.memory_space<hbm>> -> memref<32x128xf32, #tpu.memory_space<hbm>>
    %dma_wait3A_1051 = arith.constant 0 : i32
    %dma_wait3A_1052 = arith.constant 0 : i32
    %dma_wait3A_1053 = tpu.memref_slice %arg3[%dma_wait3A_1045, %dma_wait3A_1051, %dma_wait3A_1052] : memref<13x32x128xf32, #tpu.memory_space<vmem_shared>> -> memref<1x32x128xf32, #tpu.memory_space<vmem_shared>>
    %dma_wait3A_1054 = tpu.memref_squeeze %dma_wait3A_1053 : memref<1x32x128xf32, #tpu.memory_space<vmem_shared>> -> memref<32x128xf32, #tpu.memory_space<vmem_shared>>
    tpu.wait_dma2 semaphore(%arg5 : memref<!tpu.dma_semaphore, #tpu.memory_space<semaphore_mem>>) src(%dma_wait3A_1054 : memref<32x128xf32, #tpu.memory_space<vmem_shared>>) dst(%dma_wait3A_1050 : memref<32x128xf32, #tpu.memory_space<hbm>>)
    %dma_wait3A_1055 = arith.constant 5 : i32
    %dma_wait3A_1056 = arith.constant 5 : i32
    %dma_wait3A_1057 = arith.constant 0 : i32
    %dma_wait3A_1058 = arith.constant 0 : i32
    %dma_wait3A_1059 = tpu.memref_slice %arg2[%dma_wait3A_1056, %mul3A_416, %dma_wait3A_1057, %dma_wait3A_1058] : memref<13x64x4x128xf32, #tpu.memory_space<hbm>> -> memref<1x32x1x128xf32, #tpu.memory_space<hbm>>
    %dma_wait3A_1060 = tpu.memref_squeeze %dma_wait3A_1059 : memref<1x32x1x128xf32, #tpu.memory_space<hbm>> -> memref<32x128xf32, #tpu.memory_space<hbm>>
    %dma_wait3A_1061 = arith.constant 0 : i32
    %dma_wait3A_1062 = arith.constant 0 : i32
    %dma_wait3A_1063 = tpu.memref_slice %arg3[%dma_wait3A_1055, %dma_wait3A_1061, %dma_wait3A_1062] : memref<13x32x128xf32, #tpu.memory_space<vmem_shared>> -> memref<1x32x128xf32, #tpu.memory_space<vmem_shared>>
    %dma_wait3A_1064 = tpu.memref_squeeze %dma_wait3A_1063 : memref<1x32x128xf32, #tpu.memory_space<vmem_shared>> -> memref<32x128xf32, #tpu.memory_space<vmem_shared>>
    tpu.wait_dma2 semaphore(%arg5 : memref<!tpu.dma_semaphore, #tpu.memory_space<semaphore_mem>>) src(%dma_wait3A_1064 : memref<32x128xf32, #tpu.memory_space<vmem_shared>>) dst(%dma_wait3A_1060 : memref<32x128xf32, #tpu.memory_space<hbm>>)
    %dma_wait3A_1065 = arith.constant 5 : i32
    %dma_wait3A_1066 = arith.constant 5 : i32
    %dma_wait3A_1067 = arith.constant 1 : i32
    %dma_wait3A_1068 = arith.constant 0 : i32
    %dma_wait3A_1069 = tpu.memref_slice %arg2[%dma_wait3A_1066, %mul3A_428, %dma_wait3A_1067, %dma_wait3A_1068] : memref<13x64x4x128xf32, #tpu.memory_space<hbm>> -> memref<1x32x1x128xf32, #tpu.memory_space<hbm>>
    %dma_wait3A_1070 = tpu.memref_squeeze %dma_wait3A_1069 : memref<1x32x1x128xf32, #tpu.memory_space<hbm>> -> memref<32x128xf32, #tpu.memory_space<hbm>>
    %dma_wait3A_1071 = arith.constant 0 : i32
    %dma_wait3A_1072 = arith.constant 0 : i32
    %dma_wait3A_1073 = tpu.memref_slice %arg3[%dma_wait3A_1065, %dma_wait3A_1071, %dma_wait3A_1072] : memref<13x32x128xf32, #tpu.memory_space<vmem_shared>> -> memref<1x32x128xf32, #tpu.memory_space<vmem_shared>>
    %dma_wait3A_1074 = tpu.memref_squeeze %dma_wait3A_1073 : memref<1x32x128xf32, #tpu.memory_space<vmem_shared>> -> memref<32x128xf32, #tpu.memory_space<vmem_shared>>
    tpu.wait_dma2 semaphore(%arg5 : memref<!tpu.dma_semaphore, #tpu.memory_space<semaphore_mem>>) src(%dma_wait3A_1074 : memref<32x128xf32, #tpu.memory_space<vmem_shared>>) dst(%dma_wait3A_1070 : memref<32x128xf32, #tpu.memory_space<hbm>>)
    %dma_wait3A_1075 = arith.constant 5 : i32
    %dma_wait3A_1076 = arith.constant 5 : i32
    %dma_wait3A_1077 = arith.constant 2 : i32
    %dma_wait3A_1078 = arith.constant 0 : i32
    %dma_wait3A_1079 = tpu.memref_slice %arg2[%dma_wait3A_1076, %mul3A_440, %dma_wait3A_1077, %dma_wait3A_1078] : memref<13x64x4x128xf32, #tpu.memory_space<hbm>> -> memref<1x32x1x128xf32, #tpu.memory_space<hbm>>
    %dma_wait3A_1080 = tpu.memref_squeeze %dma_wait3A_1079 : memref<1x32x1x128xf32, #tpu.memory_space<hbm>> -> memref<32x128xf32, #tpu.memory_space<hbm>>
    %dma_wait3A_1081 = arith.constant 0 : i32
    %dma_wait3A_1082 = arith.constant 0 : i32
    %dma_wait3A_1083 = tpu.memref_slice %arg3[%dma_wait3A_1075, %dma_wait3A_1081, %dma_wait3A_1082] : memref<13x32x128xf32, #tpu.memory_space<vmem_shared>> -> memref<1x32x128xf32, #tpu.memory_space<vmem_shared>>
    %dma_wait3A_1084 = tpu.memref_squeeze %dma_wait3A_1083 : memref<1x32x128xf32, #tpu.memory_space<vmem_shared>> -> memref<32x128xf32, #tpu.memory_space<vmem_shared>>
    tpu.wait_dma2 semaphore(%arg5 : memref<!tpu.dma_semaphore, #tpu.memory_space<semaphore_mem>>) src(%dma_wait3A_1084 : memref<32x128xf32, #tpu.memory_space<vmem_shared>>) dst(%dma_wait3A_1080 : memref<32x128xf32, #tpu.memory_space<hbm>>)
    %dma_wait3A_1085 = arith.constant 5 : i32
    %dma_wait3A_1086 = arith.constant 5 : i32
    %dma_wait3A_1087 = arith.constant 3 : i32
    %dma_wait3A_1088 = arith.constant 0 : i32
    %dma_wait3A_1089 = tpu.memref_slice %arg2[%dma_wait3A_1086, %mul3A_452, %dma_wait3A_1087, %dma_wait3A_1088] : memref<13x64x4x128xf32, #tpu.memory_space<hbm>> -> memref<1x32x1x128xf32, #tpu.memory_space<hbm>>
    %dma_wait3A_1090 = tpu.memref_squeeze %dma_wait3A_1089 : memref<1x32x1x128xf32, #tpu.memory_space<hbm>> -> memref<32x128xf32, #tpu.memory_space<hbm>>
    %dma_wait3A_1091 = arith.constant 0 : i32
    %dma_wait3A_1092 = arith.constant 0 : i32
    %dma_wait3A_1093 = tpu.memref_slice %arg3[%dma_wait3A_1085, %dma_wait3A_1091, %dma_wait3A_1092] : memref<13x32x128xf32, #tpu.memory_space<vmem_shared>> -> memref<1x32x128xf32, #tpu.memory_space<vmem_shared>>
    %dma_wait3A_1094 = tpu.memref_squeeze %dma_wait3A_1093 : memref<1x32x128xf32, #tpu.memory_space<vmem_shared>> -> memref<32x128xf32, #tpu.memory_space<vmem_shared>>
    tpu.wait_dma2 semaphore(%arg5 : memref<!tpu.dma_semaphore, #tpu.memory_space<semaphore_mem>>) src(%dma_wait3A_1094 : memref<32x128xf32, #tpu.memory_space<vmem_shared>>) dst(%dma_wait3A_1090 : memref<32x128xf32, #tpu.memory_space<hbm>>)
    %dma_wait3A_1095 = arith.constant 6 : i32
    %dma_wait3A_1096 = arith.constant 6 : i32
    %dma_wait3A_1097 = arith.constant 0 : i32
    %dma_wait3A_1098 = arith.constant 0 : i32
    %dma_wait3A_1099 = tpu.memref_slice %arg2[%dma_wait3A_1096, %mul3A_472, %dma_wait3A_1097, %dma_wait3A_1098] : memref<13x64x4x128xf32, #tpu.memory_space<hbm>> -> memref<1x32x1x128xf32, #tpu.memory_space<hbm>>
    %dma_wait3A_1100 = tpu.memref_squeeze %dma_wait3A_1099 : memref<1x32x1x128xf32, #tpu.memory_space<hbm>> -> memref<32x128xf32, #tpu.memory_space<hbm>>
    %dma_wait3A_1101 = arith.constant 0 : i32
    %dma_wait3A_1102 = arith.constant 0 : i32
    %dma_wait3A_1103 = tpu.memref_slice %arg3[%dma_wait3A_1095, %dma_wait3A_1101, %dma_wait3A_1102] : memref<13x32x128xf32, #tpu.memory_space<vmem_shared>> -> memref<1x32x128xf32, #tpu.memory_space<vmem_shared>>
    %dma_wait3A_1104 = tpu.memref_squeeze %dma_wait3A_1103 : memref<1x32x128xf32, #tpu.memory_space<vmem_shared>> -> memref<32x128xf32, #tpu.memory_space<vmem_shared>>
    tpu.wait_dma2 semaphore(%arg5 : memref<!tpu.dma_semaphore, #tpu.memory_space<semaphore_mem>>) src(%dma_wait3A_1104 : memref<32x128xf32, #tpu.memory_space<vmem_shared>>) dst(%dma_wait3A_1100 : memref<32x128xf32, #tpu.memory_space<hbm>>)
    %dma_wait3A_1105 = arith.constant 6 : i32
    %dma_wait3A_1106 = arith.constant 6 : i32
    %dma_wait3A_1107 = arith.constant 1 : i32
    %dma_wait3A_1108 = arith.constant 0 : i32
    %dma_wait3A_1109 = tpu.memref_slice %arg2[%dma_wait3A_1106, %mul3A_484, %dma_wait3A_1107, %dma_wait3A_1108] : memref<13x64x4x128xf32, #tpu.memory_space<hbm>> -> memref<1x32x1x128xf32, #tpu.memory_space<hbm>>
    %dma_wait3A_1110 = tpu.memref_squeeze %dma_wait3A_1109 : memref<1x32x1x128xf32, #tpu.memory_space<hbm>> -> memref<32x128xf32, #tpu.memory_space<hbm>>
    %dma_wait3A_1111 = arith.constant 0 : i32
    %dma_wait3A_1112 = arith.constant 0 : i32
    %dma_wait3A_1113 = tpu.memref_slice %arg3[%dma_wait3A_1105, %dma_wait3A_1111, %dma_wait3A_1112] : memref<13x32x128xf32, #tpu.memory_space<vmem_shared>> -> memref<1x32x128xf32, #tpu.memory_space<vmem_shared>>
    %dma_wait3A_1114 = tpu.memref_squeeze %dma_wait3A_1113 : memref<1x32x128xf32, #tpu.memory_space<vmem_shared>> -> memref<32x128xf32, #tpu.memory_space<vmem_shared>>
    tpu.wait_dma2 semaphore(%arg5 : memref<!tpu.dma_semaphore, #tpu.memory_space<semaphore_mem>>) src(%dma_wait3A_1114 : memref<32x128xf32, #tpu.memory_space<vmem_shared>>) dst(%dma_wait3A_1110 : memref<32x128xf32, #tpu.memory_space<hbm>>)
    %dma_wait3A_1115 = arith.constant 6 : i32
    %dma_wait3A_1116 = arith.constant 6 : i32
    %dma_wait3A_1117 = arith.constant 2 : i32
    %dma_wait3A_1118 = arith.constant 0 : i32
    %dma_wait3A_1119 = tpu.memref_slice %arg2[%dma_wait3A_1116, %mul3A_496, %dma_wait3A_1117, %dma_wait3A_1118] : memref<13x64x4x128xf32, #tpu.memory_space<hbm>> -> memref<1x32x1x128xf32, #tpu.memory_space<hbm>>
    %dma_wait3A_1120 = tpu.memref_squeeze %dma_wait3A_1119 : memref<1x32x1x128xf32, #tpu.memory_space<hbm>> -> memref<32x128xf32, #tpu.memory_space<hbm>>
    %dma_wait3A_1121 = arith.constant 0 : i32
    %dma_wait3A_1122 = arith.constant 0 : i32
    %dma_wait3A_1123 = tpu.memref_slice %arg3[%dma_wait3A_1115, %dma_wait3A_1121, %dma_wait3A_1122] : memref<13x32x128xf32, #tpu.memory_space<vmem_shared>> -> memref<1x32x128xf32, #tpu.memory_space<vmem_shared>>
    %dma_wait3A_1124 = tpu.memref_squeeze %dma_wait3A_1123 : memref<1x32x128xf32, #tpu.memory_space<vmem_shared>> -> memref<32x128xf32, #tpu.memory_space<vmem_shared>>
    tpu.wait_dma2 semaphore(%arg5 : memref<!tpu.dma_semaphore, #tpu.memory_space<semaphore_mem>>) src(%dma_wait3A_1124 : memref<32x128xf32, #tpu.memory_space<vmem_shared>>) dst(%dma_wait3A_1120 : memref<32x128xf32, #tpu.memory_space<hbm>>)
    %dma_wait3A_1125 = arith.constant 6 : i32
    %dma_wait3A_1126 = arith.constant 6 : i32
    %dma_wait3A_1127 = arith.constant 3 : i32
    %dma_wait3A_1128 = arith.constant 0 : i32
    %dma_wait3A_1129 = tpu.memref_slice %arg2[%dma_wait3A_1126, %mul3A_508, %dma_wait3A_1127, %dma_wait3A_1128] : memref<13x64x4x128xf32, #tpu.memory_space<hbm>> -> memref<1x32x1x128xf32, #tpu.memory_space<hbm>>
    %dma_wait3A_1130 = tpu.memref_squeeze %dma_wait3A_1129 : memref<1x32x1x128xf32, #tpu.memory_space<hbm>> -> memref<32x128xf32, #tpu.memory_space<hbm>>
    %dma_wait3A_1131 = arith.constant 0 : i32
    %dma_wait3A_1132 = arith.constant 0 : i32
    %dma_wait3A_1133 = tpu.memref_slice %arg3[%dma_wait3A_1125, %dma_wait3A_1131, %dma_wait3A_1132] : memref<13x32x128xf32, #tpu.memory_space<vmem_shared>> -> memref<1x32x128xf32, #tpu.memory_space<vmem_shared>>
    %dma_wait3A_1134 = tpu.memref_squeeze %dma_wait3A_1133 : memref<1x32x128xf32, #tpu.memory_space<vmem_shared>> -> memref<32x128xf32, #tpu.memory_space<vmem_shared>>
    tpu.wait_dma2 semaphore(%arg5 : memref<!tpu.dma_semaphore, #tpu.memory_space<semaphore_mem>>) src(%dma_wait3A_1134 : memref<32x128xf32, #tpu.memory_space<vmem_shared>>) dst(%dma_wait3A_1130 : memref<32x128xf32, #tpu.memory_space<hbm>>)
    %dma_wait3A_1135 = arith.constant 7 : i32
    %dma_wait3A_1136 = arith.constant 7 : i32
    %dma_wait3A_1137 = arith.constant 0 : i32
    %dma_wait3A_1138 = arith.constant 0 : i32
    %dma_wait3A_1139 = tpu.memref_slice %arg2[%dma_wait3A_1136, %mul3A_528, %dma_wait3A_1137, %dma_wait3A_1138] : memref<13x64x4x128xf32, #tpu.memory_space<hbm>> -> memref<1x32x1x128xf32, #tpu.memory_space<hbm>>
    %dma_wait3A_1140 = tpu.memref_squeeze %dma_wait3A_1139 : memref<1x32x1x128xf32, #tpu.memory_space<hbm>> -> memref<32x128xf32, #tpu.memory_space<hbm>>
    %dma_wait3A_1141 = arith.constant 0 : i32
    %dma_wait3A_1142 = arith.constant 0 : i32
    %dma_wait3A_1143 = tpu.memref_slice %arg3[%dma_wait3A_1135, %dma_wait3A_1141, %dma_wait3A_1142] : memref<13x32x128xf32, #tpu.memory_space<vmem_shared>> -> memref<1x32x128xf32, #tpu.memory_space<vmem_shared>>
    %dma_wait3A_1144 = tpu.memref_squeeze %dma_wait3A_1143 : memref<1x32x128xf32, #tpu.memory_space<vmem_shared>> -> memref<32x128xf32, #tpu.memory_space<vmem_shared>>
    tpu.wait_dma2 semaphore(%arg5 : memref<!tpu.dma_semaphore, #tpu.memory_space<semaphore_mem>>) src(%dma_wait3A_1144 : memref<32x128xf32, #tpu.memory_space<vmem_shared>>) dst(%dma_wait3A_1140 : memref<32x128xf32, #tpu.memory_space<hbm>>)
    %dma_wait3A_1145 = arith.constant 7 : i32
    %dma_wait3A_1146 = arith.constant 7 : i32
    %dma_wait3A_1147 = arith.constant 1 : i32
    %dma_wait3A_1148 = arith.constant 0 : i32
    %dma_wait3A_1149 = tpu.memref_slice %arg2[%dma_wait3A_1146, %mul3A_540, %dma_wait3A_1147, %dma_wait3A_1148] : memref<13x64x4x128xf32, #tpu.memory_space<hbm>> -> memref<1x32x1x128xf32, #tpu.memory_space<hbm>>
    %dma_wait3A_1150 = tpu.memref_squeeze %dma_wait3A_1149 : memref<1x32x1x128xf32, #tpu.memory_space<hbm>> -> memref<32x128xf32, #tpu.memory_space<hbm>>
    %dma_wait3A_1151 = arith.constant 0 : i32
    %dma_wait3A_1152 = arith.constant 0 : i32
    %dma_wait3A_1153 = tpu.memref_slice %arg3[%dma_wait3A_1145, %dma_wait3A_1151, %dma_wait3A_1152] : memref<13x32x128xf32, #tpu.memory_space<vmem_shared>> -> memref<1x32x128xf32, #tpu.memory_space<vmem_shared>>
    %dma_wait3A_1154 = tpu.memref_squeeze %dma_wait3A_1153 : memref<1x32x128xf32, #tpu.memory_space<vmem_shared>> -> memref<32x128xf32, #tpu.memory_space<vmem_shared>>
    tpu.wait_dma2 semaphore(%arg5 : memref<!tpu.dma_semaphore, #tpu.memory_space<semaphore_mem>>) src(%dma_wait3A_1154 : memref<32x128xf32, #tpu.memory_space<vmem_shared>>) dst(%dma_wait3A_1150 : memref<32x128xf32, #tpu.memory_space<hbm>>)
    %dma_wait3A_1155 = arith.constant 7 : i32
    %dma_wait3A_1156 = arith.constant 7 : i32
    %dma_wait3A_1157 = arith.constant 2 : i32
    %dma_wait3A_1158 = arith.constant 0 : i32
    %dma_wait3A_1159 = tpu.memref_slice %arg2[%dma_wait3A_1156, %mul3A_552, %dma_wait3A_1157, %dma_wait3A_1158] : memref<13x64x4x128xf32, #tpu.memory_space<hbm>> -> memref<1x32x1x128xf32, #tpu.memory_space<hbm>>
    %dma_wait3A_1160 = tpu.memref_squeeze %dma_wait3A_1159 : memref<1x32x1x128xf32, #tpu.memory_space<hbm>> -> memref<32x128xf32, #tpu.memory_space<hbm>>
    %dma_wait3A_1161 = arith.constant 0 : i32
    %dma_wait3A_1162 = arith.constant 0 : i32
    %dma_wait3A_1163 = tpu.memref_slice %arg3[%dma_wait3A_1155, %dma_wait3A_1161, %dma_wait3A_1162] : memref<13x32x128xf32, #tpu.memory_space<vmem_shared>> -> memref<1x32x128xf32, #tpu.memory_space<vmem_shared>>
    %dma_wait3A_1164 = tpu.memref_squeeze %dma_wait3A_1163 : memref<1x32x128xf32, #tpu.memory_space<vmem_shared>> -> memref<32x128xf32, #tpu.memory_space<vmem_shared>>
    tpu.wait_dma2 semaphore(%arg5 : memref<!tpu.dma_semaphore, #tpu.memory_space<semaphore_mem>>) src(%dma_wait3A_1164 : memref<32x128xf32, #tpu.memory_space<vmem_shared>>) dst(%dma_wait3A_1160 : memref<32x128xf32, #tpu.memory_space<hbm>>)
    %dma_wait3A_1165 = arith.constant 7 : i32
    %dma_wait3A_1166 = arith.constant 7 : i32
    %dma_wait3A_1167 = arith.constant 3 : i32
    %dma_wait3A_1168 = arith.constant 0 : i32
    %dma_wait3A_1169 = tpu.memref_slice %arg2[%dma_wait3A_1166, %mul3A_564, %dma_wait3A_1167, %dma_wait3A_1168] : memref<13x64x4x128xf32, #tpu.memory_space<hbm>> -> memref<1x32x1x128xf32, #tpu.memory_space<hbm>>
    %dma_wait3A_1170 = tpu.memref_squeeze %dma_wait3A_1169 : memref<1x32x1x128xf32, #tpu.memory_space<hbm>> -> memref<32x128xf32, #tpu.memory_space<hbm>>
    %dma_wait3A_1171 = arith.constant 0 : i32
    %dma_wait3A_1172 = arith.constant 0 : i32
    %dma_wait3A_1173 = tpu.memref_slice %arg3[%dma_wait3A_1165, %dma_wait3A_1171, %dma_wait3A_1172] : memref<13x32x128xf32, #tpu.memory_space<vmem_shared>> -> memref<1x32x128xf32, #tpu.memory_space<vmem_shared>>
    %dma_wait3A_1174 = tpu.memref_squeeze %dma_wait3A_1173 : memref<1x32x128xf32, #tpu.memory_space<vmem_shared>> -> memref<32x128xf32, #tpu.memory_space<vmem_shared>>
    tpu.wait_dma2 semaphore(%arg5 : memref<!tpu.dma_semaphore, #tpu.memory_space<semaphore_mem>>) src(%dma_wait3A_1174 : memref<32x128xf32, #tpu.memory_space<vmem_shared>>) dst(%dma_wait3A_1170 : memref<32x128xf32, #tpu.memory_space<hbm>>)
    %dma_wait3A_1175 = arith.constant 8 : i32
    %dma_wait3A_1176 = arith.constant 8 : i32
    %dma_wait3A_1177 = arith.constant 0 : i32
    %dma_wait3A_1178 = arith.constant 0 : i32
    %dma_wait3A_1179 = tpu.memref_slice %arg2[%dma_wait3A_1176, %mul3A_584, %dma_wait3A_1177, %dma_wait3A_1178] : memref<13x64x4x128xf32, #tpu.memory_space<hbm>> -> memref<1x32x1x128xf32, #tpu.memory_space<hbm>>
    %dma_wait3A_1180 = tpu.memref_squeeze %dma_wait3A_1179 : memref<1x32x1x128xf32, #tpu.memory_space<hbm>> -> memref<32x128xf32, #tpu.memory_space<hbm>>
    %dma_wait3A_1181 = arith.constant 0 : i32
    %dma_wait3A_1182 = arith.constant 0 : i32
    %dma_wait3A_1183 = tpu.memref_slice %arg3[%dma_wait3A_1175, %dma_wait3A_1181, %dma_wait3A_1182] : memref<13x32x128xf32, #tpu.memory_space<vmem_shared>> -> memref<1x32x128xf32, #tpu.memory_space<vmem_shared>>
    %dma_wait3A_1184 = tpu.memref_squeeze %dma_wait3A_1183 : memref<1x32x128xf32, #tpu.memory_space<vmem_shared>> -> memref<32x128xf32, #tpu.memory_space<vmem_shared>>
    tpu.wait_dma2 semaphore(%arg5 : memref<!tpu.dma_semaphore, #tpu.memory_space<semaphore_mem>>) src(%dma_wait3A_1184 : memref<32x128xf32, #tpu.memory_space<vmem_shared>>) dst(%dma_wait3A_1180 : memref<32x128xf32, #tpu.memory_space<hbm>>)
    %dma_wait3A_1185 = arith.constant 8 : i32
    %dma_wait3A_1186 = arith.constant 8 : i32
    %dma_wait3A_1187 = arith.constant 1 : i32
    %dma_wait3A_1188 = arith.constant 0 : i32
    %dma_wait3A_1189 = tpu.memref_slice %arg2[%dma_wait3A_1186, %mul3A_596, %dma_wait3A_1187, %dma_wait3A_1188] : memref<13x64x4x128xf32, #tpu.memory_space<hbm>> -> memref<1x32x1x128xf32, #tpu.memory_space<hbm>>
    %dma_wait3A_1190 = tpu.memref_squeeze %dma_wait3A_1189 : memref<1x32x1x128xf32, #tpu.memory_space<hbm>> -> memref<32x128xf32, #tpu.memory_space<hbm>>
    %dma_wait3A_1191 = arith.constant 0 : i32
    %dma_wait3A_1192 = arith.constant 0 : i32
    %dma_wait3A_1193 = tpu.memref_slice %arg3[%dma_wait3A_1185, %dma_wait3A_1191, %dma_wait3A_1192] : memref<13x32x128xf32, #tpu.memory_space<vmem_shared>> -> memref<1x32x128xf32, #tpu.memory_space<vmem_shared>>
    %dma_wait3A_1194 = tpu.memref_squeeze %dma_wait3A_1193 : memref<1x32x128xf32, #tpu.memory_space<vmem_shared>> -> memref<32x128xf32, #tpu.memory_space<vmem_shared>>
    tpu.wait_dma2 semaphore(%arg5 : memref<!tpu.dma_semaphore, #tpu.memory_space<semaphore_mem>>) src(%dma_wait3A_1194 : memref<32x128xf32, #tpu.memory_space<vmem_shared>>) dst(%dma_wait3A_1190 : memref<32x128xf32, #tpu.memory_space<hbm>>)
    %dma_wait3A_1195 = arith.constant 8 : i32
    %dma_wait3A_1196 = arith.constant 8 : i32
    %dma_wait3A_1197 = arith.constant 2 : i32
    %dma_wait3A_1198 = arith.constant 0 : i32
    %dma_wait3A_1199 = tpu.memref_slice %arg2[%dma_wait3A_1196, %mul3A_608, %dma_wait3A_1197, %dma_wait3A_1198] : memref<13x64x4x128xf32, #tpu.memory_space<hbm>> -> memref<1x32x1x128xf32, #tpu.memory_space<hbm>>
    %dma_wait3A_1200 = tpu.memref_squeeze %dma_wait3A_1199 : memref<1x32x1x128xf32, #tpu.memory_space<hbm>> -> memref<32x128xf32, #tpu.memory_space<hbm>>
    %dma_wait3A_1201 = arith.constant 0 : i32
    %dma_wait3A_1202 = arith.constant 0 : i32
    %dma_wait3A_1203 = tpu.memref_slice %arg3[%dma_wait3A_1195, %dma_wait3A_1201, %dma_wait3A_1202] : memref<13x32x128xf32, #tpu.memory_space<vmem_shared>> -> memref<1x32x128xf32, #tpu.memory_space<vmem_shared>>
    %dma_wait3A_1204 = tpu.memref_squeeze %dma_wait3A_1203 : memref<1x32x128xf32, #tpu.memory_space<vmem_shared>> -> memref<32x128xf32, #tpu.memory_space<vmem_shared>>
    tpu.wait_dma2 semaphore(%arg5 : memref<!tpu.dma_semaphore, #tpu.memory_space<semaphore_mem>>) src(%dma_wait3A_1204 : memref<32x128xf32, #tpu.memory_space<vmem_shared>>) dst(%dma_wait3A_1200 : memref<32x128xf32, #tpu.memory_space<hbm>>)
    %dma_wait3A_1205 = arith.constant 8 : i32
    %dma_wait3A_1206 = arith.constant 8 : i32
    %dma_wait3A_1207 = arith.constant 3 : i32
    %dma_wait3A_1208 = arith.constant 0 : i32
    %dma_wait3A_1209 = tpu.memref_slice %arg2[%dma_wait3A_1206, %mul3A_620, %dma_wait3A_1207, %dma_wait3A_1208] : memref<13x64x4x128xf32, #tpu.memory_space<hbm>> -> memref<1x32x1x128xf32, #tpu.memory_space<hbm>>
    %dma_wait3A_1210 = tpu.memref_squeeze %dma_wait3A_1209 : memref<1x32x1x128xf32, #tpu.memory_space<hbm>> -> memref<32x128xf32, #tpu.memory_space<hbm>>
    %dma_wait3A_1211 = arith.constant 0 : i32
    %dma_wait3A_1212 = arith.constant 0 : i32
    %dma_wait3A_1213 = tpu.memref_slice %arg3[%dma_wait3A_1205, %dma_wait3A_1211, %dma_wait3A_1212] : memref<13x32x128xf32, #tpu.memory_space<vmem_shared>> -> memref<1x32x128xf32, #tpu.memory_space<vmem_shared>>
    %dma_wait3A_1214 = tpu.memref_squeeze %dma_wait3A_1213 : memref<1x32x128xf32, #tpu.memory_space<vmem_shared>> -> memref<32x128xf32, #tpu.memory_space<vmem_shared>>
    tpu.wait_dma2 semaphore(%arg5 : memref<!tpu.dma_semaphore, #tpu.memory_space<semaphore_mem>>) src(%dma_wait3A_1214 : memref<32x128xf32, #tpu.memory_space<vmem_shared>>) dst(%dma_wait3A_1210 : memref<32x128xf32, #tpu.memory_space<hbm>>)
    %dma_wait3A_1215 = arith.constant 9 : i32
    %dma_wait3A_1216 = arith.constant 9 : i32
    %dma_wait3A_1217 = arith.constant 0 : i32
    %dma_wait3A_1218 = arith.constant 0 : i32
    %dma_wait3A_1219 = tpu.memref_slice %arg2[%dma_wait3A_1216, %mul3A_640, %dma_wait3A_1217, %dma_wait3A_1218] : memref<13x64x4x128xf32, #tpu.memory_space<hbm>> -> memref<1x32x1x128xf32, #tpu.memory_space<hbm>>
    %dma_wait3A_1220 = tpu.memref_squeeze %dma_wait3A_1219 : memref<1x32x1x128xf32, #tpu.memory_space<hbm>> -> memref<32x128xf32, #tpu.memory_space<hbm>>
    %dma_wait3A_1221 = arith.constant 0 : i32
    %dma_wait3A_1222 = arith.constant 0 : i32
    %dma_wait3A_1223 = tpu.memref_slice %arg3[%dma_wait3A_1215, %dma_wait3A_1221, %dma_wait3A_1222] : memref<13x32x128xf32, #tpu.memory_space<vmem_shared>> -> memref<1x32x128xf32, #tpu.memory_space<vmem_shared>>
    %dma_wait3A_1224 = tpu.memref_squeeze %dma_wait3A_1223 : memref<1x32x128xf32, #tpu.memory_space<vmem_shared>> -> memref<32x128xf32, #tpu.memory_space<vmem_shared>>
    tpu.wait_dma2 semaphore(%arg5 : memref<!tpu.dma_semaphore, #tpu.memory_space<semaphore_mem>>) src(%dma_wait3A_1224 : memref<32x128xf32, #tpu.memory_space<vmem_shared>>) dst(%dma_wait3A_1220 : memref<32x128xf32, #tpu.memory_space<hbm>>)
    %dma_wait3A_1225 = arith.constant 9 : i32
    %dma_wait3A_1226 = arith.constant 9 : i32
    %dma_wait3A_1227 = arith.constant 1 : i32
    %dma_wait3A_1228 = arith.constant 0 : i32
    %dma_wait3A_1229 = tpu.memref_slice %arg2[%dma_wait3A_1226, %mul3A_652, %dma_wait3A_1227, %dma_wait3A_1228] : memref<13x64x4x128xf32, #tpu.memory_space<hbm>> -> memref<1x32x1x128xf32, #tpu.memory_space<hbm>>
    %dma_wait3A_1230 = tpu.memref_squeeze %dma_wait3A_1229 : memref<1x32x1x128xf32, #tpu.memory_space<hbm>> -> memref<32x128xf32, #tpu.memory_space<hbm>>
    %dma_wait3A_1231 = arith.constant 0 : i32
    %dma_wait3A_1232 = arith.constant 0 : i32
    %dma_wait3A_1233 = tpu.memref_slice %arg3[%dma_wait3A_1225, %dma_wait3A_1231, %dma_wait3A_1232] : memref<13x32x128xf32, #tpu.memory_space<vmem_shared>> -> memref<1x32x128xf32, #tpu.memory_space<vmem_shared>>
    %dma_wait3A_1234 = tpu.memref_squeeze %dma_wait3A_1233 : memref<1x32x128xf32, #tpu.memory_space<vmem_shared>> -> memref<32x128xf32, #tpu.memory_space<vmem_shared>>
    tpu.wait_dma2 semaphore(%arg5 : memref<!tpu.dma_semaphore, #tpu.memory_space<semaphore_mem>>) src(%dma_wait3A_1234 : memref<32x128xf32, #tpu.memory_space<vmem_shared>>) dst(%dma_wait3A_1230 : memref<32x128xf32, #tpu.memory_space<hbm>>)
    %dma_wait3A_1235 = arith.constant 9 : i32
    %dma_wait3A_1236 = arith.constant 9 : i32
    %dma_wait3A_1237 = arith.constant 2 : i32
    %dma_wait3A_1238 = arith.constant 0 : i32
    %dma_wait3A_1239 = tpu.memref_slice %arg2[%dma_wait3A_1236, %mul3A_664, %dma_wait3A_1237, %dma_wait3A_1238] : memref<13x64x4x128xf32, #tpu.memory_space<hbm>> -> memref<1x32x1x128xf32, #tpu.memory_space<hbm>>
    %dma_wait3A_1240 = tpu.memref_squeeze %dma_wait3A_1239 : memref<1x32x1x128xf32, #tpu.memory_space<hbm>> -> memref<32x128xf32, #tpu.memory_space<hbm>>
    %dma_wait3A_1241 = arith.constant 0 : i32
    %dma_wait3A_1242 = arith.constant 0 : i32
    %dma_wait3A_1243 = tpu.memref_slice %arg3[%dma_wait3A_1235, %dma_wait3A_1241, %dma_wait3A_1242] : memref<13x32x128xf32, #tpu.memory_space<vmem_shared>> -> memref<1x32x128xf32, #tpu.memory_space<vmem_shared>>
    %dma_wait3A_1244 = tpu.memref_squeeze %dma_wait3A_1243 : memref<1x32x128xf32, #tpu.memory_space<vmem_shared>> -> memref<32x128xf32, #tpu.memory_space<vmem_shared>>
    tpu.wait_dma2 semaphore(%arg5 : memref<!tpu.dma_semaphore, #tpu.memory_space<semaphore_mem>>) src(%dma_wait3A_1244 : memref<32x128xf32, #tpu.memory_space<vmem_shared>>) dst(%dma_wait3A_1240 : memref<32x128xf32, #tpu.memory_space<hbm>>)
    %dma_wait3A_1245 = arith.constant 9 : i32
    %dma_wait3A_1246 = arith.constant 9 : i32
    %dma_wait3A_1247 = arith.constant 3 : i32
    %dma_wait3A_1248 = arith.constant 0 : i32
    %dma_wait3A_1249 = tpu.memref_slice %arg2[%dma_wait3A_1246, %mul3A_676, %dma_wait3A_1247, %dma_wait3A_1248] : memref<13x64x4x128xf32, #tpu.memory_space<hbm>> -> memref<1x32x1x128xf32, #tpu.memory_space<hbm>>
    %dma_wait3A_1250 = tpu.memref_squeeze %dma_wait3A_1249 : memref<1x32x1x128xf32, #tpu.memory_space<hbm>> -> memref<32x128xf32, #tpu.memory_space<hbm>>
    %dma_wait3A_1251 = arith.constant 0 : i32
    %dma_wait3A_1252 = arith.constant 0 : i32
    %dma_wait3A_1253 = tpu.memref_slice %arg3[%dma_wait3A_1245, %dma_wait3A_1251, %dma_wait3A_1252] : memref<13x32x128xf32, #tpu.memory_space<vmem_shared>> -> memref<1x32x128xf32, #tpu.memory_space<vmem_shared>>
    %dma_wait3A_1254 = tpu.memref_squeeze %dma_wait3A_1253 : memref<1x32x128xf32, #tpu.memory_space<vmem_shared>> -> memref<32x128xf32, #tpu.memory_space<vmem_shared>>
    tpu.wait_dma2 semaphore(%arg5 : memref<!tpu.dma_semaphore, #tpu.memory_space<semaphore_mem>>) src(%dma_wait3A_1254 : memref<32x128xf32, #tpu.memory_space<vmem_shared>>) dst(%dma_wait3A_1250 : memref<32x128xf32, #tpu.memory_space<hbm>>)
    %dma_wait3A_1255 = arith.constant 10 : i32
    %dma_wait3A_1256 = arith.constant 10 : i32
    %dma_wait3A_1257 = arith.constant 0 : i32
    %dma_wait3A_1258 = arith.constant 0 : i32
    %dma_wait3A_1259 = tpu.memref_slice %arg2[%dma_wait3A_1256, %mul3A_696, %dma_wait3A_1257, %dma_wait3A_1258] : memref<13x64x4x128xf32, #tpu.memory_space<hbm>> -> memref<1x32x1x128xf32, #tpu.memory_space<hbm>>
    %dma_wait3A_1260 = tpu.memref_squeeze %dma_wait3A_1259 : memref<1x32x1x128xf32, #tpu.memory_space<hbm>> -> memref<32x128xf32, #tpu.memory_space<hbm>>
    %dma_wait3A_1261 = arith.constant 0 : i32
    %dma_wait3A_1262 = arith.constant 0 : i32
    %dma_wait3A_1263 = tpu.memref_slice %arg3[%dma_wait3A_1255, %dma_wait3A_1261, %dma_wait3A_1262] : memref<13x32x128xf32, #tpu.memory_space<vmem_shared>> -> memref<1x32x128xf32, #tpu.memory_space<vmem_shared>>
    %dma_wait3A_1264 = tpu.memref_squeeze %dma_wait3A_1263 : memref<1x32x128xf32, #tpu.memory_space<vmem_shared>> -> memref<32x128xf32, #tpu.memory_space<vmem_shared>>
    tpu.wait_dma2 semaphore(%arg5 : memref<!tpu.dma_semaphore, #tpu.memory_space<semaphore_mem>>) src(%dma_wait3A_1264 : memref<32x128xf32, #tpu.memory_space<vmem_shared>>) dst(%dma_wait3A_1260 : memref<32x128xf32, #tpu.memory_space<hbm>>)
    %dma_wait3A_1265 = arith.constant 10 : i32
    %dma_wait3A_1266 = arith.constant 10 : i32
    %dma_wait3A_1267 = arith.constant 1 : i32
    %dma_wait3A_1268 = arith.constant 0 : i32
    %dma_wait3A_1269 = tpu.memref_slice %arg2[%dma_wait3A_1266, %mul3A_708, %dma_wait3A_1267, %dma_wait3A_1268] : memref<13x64x4x128xf32, #tpu.memory_space<hbm>> -> memref<1x32x1x128xf32, #tpu.memory_space<hbm>>
    %dma_wait3A_1270 = tpu.memref_squeeze %dma_wait3A_1269 : memref<1x32x1x128xf32, #tpu.memory_space<hbm>> -> memref<32x128xf32, #tpu.memory_space<hbm>>
    %dma_wait3A_1271 = arith.constant 0 : i32
    %dma_wait3A_1272 = arith.constant 0 : i32
    %dma_wait3A_1273 = tpu.memref_slice %arg3[%dma_wait3A_1265, %dma_wait3A_1271, %dma_wait3A_1272] : memref<13x32x128xf32, #tpu.memory_space<vmem_shared>> -> memref<1x32x128xf32, #tpu.memory_space<vmem_shared>>
    %dma_wait3A_1274 = tpu.memref_squeeze %dma_wait3A_1273 : memref<1x32x128xf32, #tpu.memory_space<vmem_shared>> -> memref<32x128xf32, #tpu.memory_space<vmem_shared>>
    tpu.wait_dma2 semaphore(%arg5 : memref<!tpu.dma_semaphore, #tpu.memory_space<semaphore_mem>>) src(%dma_wait3A_1274 : memref<32x128xf32, #tpu.memory_space<vmem_shared>>) dst(%dma_wait3A_1270 : memref<32x128xf32, #tpu.memory_space<hbm>>)
    %dma_wait3A_1275 = arith.constant 10 : i32
    %dma_wait3A_1276 = arith.constant 10 : i32
    %dma_wait3A_1277 = arith.constant 2 : i32
    %dma_wait3A_1278 = arith.constant 0 : i32
    %dma_wait3A_1279 = tpu.memref_slice %arg2[%dma_wait3A_1276, %mul3A_720, %dma_wait3A_1277, %dma_wait3A_1278] : memref<13x64x4x128xf32, #tpu.memory_space<hbm>> -> memref<1x32x1x128xf32, #tpu.memory_space<hbm>>
    %dma_wait3A_1280 = tpu.memref_squeeze %dma_wait3A_1279 : memref<1x32x1x128xf32, #tpu.memory_space<hbm>> -> memref<32x128xf32, #tpu.memory_space<hbm>>
    %dma_wait3A_1281 = arith.constant 0 : i32
    %dma_wait3A_1282 = arith.constant 0 : i32
    %dma_wait3A_1283 = tpu.memref_slice %arg3[%dma_wait3A_1275, %dma_wait3A_1281, %dma_wait3A_1282] : memref<13x32x128xf32, #tpu.memory_space<vmem_shared>> -> memref<1x32x128xf32, #tpu.memory_space<vmem_shared>>
    %dma_wait3A_1284 = tpu.memref_squeeze %dma_wait3A_1283 : memref<1x32x128xf32, #tpu.memory_space<vmem_shared>> -> memref<32x128xf32, #tpu.memory_space<vmem_shared>>
    tpu.wait_dma2 semaphore(%arg5 : memref<!tpu.dma_semaphore, #tpu.memory_space<semaphore_mem>>) src(%dma_wait3A_1284 : memref<32x128xf32, #tpu.memory_space<vmem_shared>>) dst(%dma_wait3A_1280 : memref<32x128xf32, #tpu.memory_space<hbm>>)
    %dma_wait3A_1285 = arith.constant 10 : i32
    %dma_wait3A_1286 = arith.constant 10 : i32
    %dma_wait3A_1287 = arith.constant 3 : i32
    %dma_wait3A_1288 = arith.constant 0 : i32
    %dma_wait3A_1289 = tpu.memref_slice %arg2[%dma_wait3A_1286, %mul3A_732, %dma_wait3A_1287, %dma_wait3A_1288] : memref<13x64x4x128xf32, #tpu.memory_space<hbm>> -> memref<1x32x1x128xf32, #tpu.memory_space<hbm>>
    %dma_wait3A_1290 = tpu.memref_squeeze %dma_wait3A_1289 : memref<1x32x1x128xf32, #tpu.memory_space<hbm>> -> memref<32x128xf32, #tpu.memory_space<hbm>>
    %dma_wait3A_1291 = arith.constant 0 : i32
    %dma_wait3A_1292 = arith.constant 0 : i32
    %dma_wait3A_1293 = tpu.memref_slice %arg3[%dma_wait3A_1285, %dma_wait3A_1291, %dma_wait3A_1292] : memref<13x32x128xf32, #tpu.memory_space<vmem_shared>> -> memref<1x32x128xf32, #tpu.memory_space<vmem_shared>>
    %dma_wait3A_1294 = tpu.memref_squeeze %dma_wait3A_1293 : memref<1x32x128xf32, #tpu.memory_space<vmem_shared>> -> memref<32x128xf32, #tpu.memory_space<vmem_shared>>
    tpu.wait_dma2 semaphore(%arg5 : memref<!tpu.dma_semaphore, #tpu.memory_space<semaphore_mem>>) src(%dma_wait3A_1294 : memref<32x128xf32, #tpu.memory_space<vmem_shared>>) dst(%dma_wait3A_1290 : memref<32x128xf32, #tpu.memory_space<hbm>>)
    %dma_wait3A_1295 = arith.constant 11 : i32
    %dma_wait3A_1296 = arith.constant 11 : i32
    %dma_wait3A_1297 = arith.constant 0 : i32
    %dma_wait3A_1298 = arith.constant 0 : i32
    %dma_wait3A_1299 = tpu.memref_slice %arg2[%dma_wait3A_1296, %mul3A_752, %dma_wait3A_1297, %dma_wait3A_1298] : memref<13x64x4x128xf32, #tpu.memory_space<hbm>> -> memref<1x32x1x128xf32, #tpu.memory_space<hbm>>
    %dma_wait3A_1300 = tpu.memref_squeeze %dma_wait3A_1299 : memref<1x32x1x128xf32, #tpu.memory_space<hbm>> -> memref<32x128xf32, #tpu.memory_space<hbm>>
    %dma_wait3A_1301 = arith.constant 0 : i32
    %dma_wait3A_1302 = arith.constant 0 : i32
    %dma_wait3A_1303 = tpu.memref_slice %arg3[%dma_wait3A_1295, %dma_wait3A_1301, %dma_wait3A_1302] : memref<13x32x128xf32, #tpu.memory_space<vmem_shared>> -> memref<1x32x128xf32, #tpu.memory_space<vmem_shared>>
    %dma_wait3A_1304 = tpu.memref_squeeze %dma_wait3A_1303 : memref<1x32x128xf32, #tpu.memory_space<vmem_shared>> -> memref<32x128xf32, #tpu.memory_space<vmem_shared>>
    tpu.wait_dma2 semaphore(%arg5 : memref<!tpu.dma_semaphore, #tpu.memory_space<semaphore_mem>>) src(%dma_wait3A_1304 : memref<32x128xf32, #tpu.memory_space<vmem_shared>>) dst(%dma_wait3A_1300 : memref<32x128xf32, #tpu.memory_space<hbm>>)
    %dma_wait3A_1305 = arith.constant 11 : i32
    %dma_wait3A_1306 = arith.constant 11 : i32
    %dma_wait3A_1307 = arith.constant 1 : i32
    %dma_wait3A_1308 = arith.constant 0 : i32
    %dma_wait3A_1309 = tpu.memref_slice %arg2[%dma_wait3A_1306, %mul3A_764, %dma_wait3A_1307, %dma_wait3A_1308] : memref<13x64x4x128xf32, #tpu.memory_space<hbm>> -> memref<1x32x1x128xf32, #tpu.memory_space<hbm>>
    %dma_wait3A_1310 = tpu.memref_squeeze %dma_wait3A_1309 : memref<1x32x1x128xf32, #tpu.memory_space<hbm>> -> memref<32x128xf32, #tpu.memory_space<hbm>>
    %dma_wait3A_1311 = arith.constant 0 : i32
    %dma_wait3A_1312 = arith.constant 0 : i32
    %dma_wait3A_1313 = tpu.memref_slice %arg3[%dma_wait3A_1305, %dma_wait3A_1311, %dma_wait3A_1312] : memref<13x32x128xf32, #tpu.memory_space<vmem_shared>> -> memref<1x32x128xf32, #tpu.memory_space<vmem_shared>>
    %dma_wait3A_1314 = tpu.memref_squeeze %dma_wait3A_1313 : memref<1x32x128xf32, #tpu.memory_space<vmem_shared>> -> memref<32x128xf32, #tpu.memory_space<vmem_shared>>
    tpu.wait_dma2 semaphore(%arg5 : memref<!tpu.dma_semaphore, #tpu.memory_space<semaphore_mem>>) src(%dma_wait3A_1314 : memref<32x128xf32, #tpu.memory_space<vmem_shared>>) dst(%dma_wait3A_1310 : memref<32x128xf32, #tpu.memory_space<hbm>>)
    %dma_wait3A_1315 = arith.constant 11 : i32
    %dma_wait3A_1316 = arith.constant 11 : i32
    %dma_wait3A_1317 = arith.constant 2 : i32
    %dma_wait3A_1318 = arith.constant 0 : i32
    %dma_wait3A_1319 = tpu.memref_slice %arg2[%dma_wait3A_1316, %mul3A_776, %dma_wait3A_1317, %dma_wait3A_1318] : memref<13x64x4x128xf32, #tpu.memory_space<hbm>> -> memref<1x32x1x128xf32, #tpu.memory_space<hbm>>
    %dma_wait3A_1320 = tpu.memref_squeeze %dma_wait3A_1319 : memref<1x32x1x128xf32, #tpu.memory_space<hbm>> -> memref<32x128xf32, #tpu.memory_space<hbm>>
    %dma_wait3A_1321 = arith.constant 0 : i32
    %dma_wait3A_1322 = arith.constant 0 : i32
    %dma_wait3A_1323 = tpu.memref_slice %arg3[%dma_wait3A_1315, %dma_wait3A_1321, %dma_wait3A_1322] : memref<13x32x128xf32, #tpu.memory_space<vmem_shared>> -> memref<1x32x128xf32, #tpu.memory_space<vmem_shared>>
    %dma_wait3A_1324 = tpu.memref_squeeze %dma_wait3A_1323 : memref<1x32x128xf32, #tpu.memory_space<vmem_shared>> -> memref<32x128xf32, #tpu.memory_space<vmem_shared>>
    tpu.wait_dma2 semaphore(%arg5 : memref<!tpu.dma_semaphore, #tpu.memory_space<semaphore_mem>>) src(%dma_wait3A_1324 : memref<32x128xf32, #tpu.memory_space<vmem_shared>>) dst(%dma_wait3A_1320 : memref<32x128xf32, #tpu.memory_space<hbm>>)
    %dma_wait3A_1325 = arith.constant 11 : i32
    %dma_wait3A_1326 = arith.constant 11 : i32
    %dma_wait3A_1327 = arith.constant 3 : i32
    %dma_wait3A_1328 = arith.constant 0 : i32
    %dma_wait3A_1329 = tpu.memref_slice %arg2[%dma_wait3A_1326, %mul3A_788, %dma_wait3A_1327, %dma_wait3A_1328] : memref<13x64x4x128xf32, #tpu.memory_space<hbm>> -> memref<1x32x1x128xf32, #tpu.memory_space<hbm>>
    %dma_wait3A_1330 = tpu.memref_squeeze %dma_wait3A_1329 : memref<1x32x1x128xf32, #tpu.memory_space<hbm>> -> memref<32x128xf32, #tpu.memory_space<hbm>>
    %dma_wait3A_1331 = arith.constant 0 : i32
    %dma_wait3A_1332 = arith.constant 0 : i32
    %dma_wait3A_1333 = tpu.memref_slice %arg3[%dma_wait3A_1325, %dma_wait3A_1331, %dma_wait3A_1332] : memref<13x32x128xf32, #tpu.memory_space<vmem_shared>> -> memref<1x32x128xf32, #tpu.memory_space<vmem_shared>>
    %dma_wait3A_1334 = tpu.memref_squeeze %dma_wait3A_1333 : memref<1x32x128xf32, #tpu.memory_space<vmem_shared>> -> memref<32x128xf32, #tpu.memory_space<vmem_shared>>
    tpu.wait_dma2 semaphore(%arg5 : memref<!tpu.dma_semaphore, #tpu.memory_space<semaphore_mem>>) src(%dma_wait3A_1334 : memref<32x128xf32, #tpu.memory_space<vmem_shared>>) dst(%dma_wait3A_1330 : memref<32x128xf32, #tpu.memory_space<hbm>>)
    %dma_wait3A_1335 = arith.constant 12 : i32
    %dma_wait3A_1336 = arith.constant 12 : i32
    %dma_wait3A_1337 = arith.constant 0 : i32
    %dma_wait3A_1338 = arith.constant 0 : i32
    %dma_wait3A_1339 = tpu.memref_slice %arg2[%dma_wait3A_1336, %mul3A_808, %dma_wait3A_1337, %dma_wait3A_1338] : memref<13x64x4x128xf32, #tpu.memory_space<hbm>> -> memref<1x32x1x128xf32, #tpu.memory_space<hbm>>
    %dma_wait3A_1340 = tpu.memref_squeeze %dma_wait3A_1339 : memref<1x32x1x128xf32, #tpu.memory_space<hbm>> -> memref<32x128xf32, #tpu.memory_space<hbm>>
    %dma_wait3A_1341 = arith.constant 0 : i32
    %dma_wait3A_1342 = arith.constant 0 : i32
    %dma_wait3A_1343 = tpu.memref_slice %arg3[%dma_wait3A_1335, %dma_wait3A_1341, %dma_wait3A_1342] : memref<13x32x128xf32, #tpu.memory_space<vmem_shared>> -> memref<1x32x128xf32, #tpu.memory_space<vmem_shared>>
    %dma_wait3A_1344 = tpu.memref_squeeze %dma_wait3A_1343 : memref<1x32x128xf32, #tpu.memory_space<vmem_shared>> -> memref<32x128xf32, #tpu.memory_space<vmem_shared>>
    tpu.wait_dma2 semaphore(%arg5 : memref<!tpu.dma_semaphore, #tpu.memory_space<semaphore_mem>>) src(%dma_wait3A_1344 : memref<32x128xf32, #tpu.memory_space<vmem_shared>>) dst(%dma_wait3A_1340 : memref<32x128xf32, #tpu.memory_space<hbm>>)
    %dma_wait3A_1345 = arith.constant 12 : i32
    %dma_wait3A_1346 = arith.constant 12 : i32
    %dma_wait3A_1347 = arith.constant 1 : i32
    %dma_wait3A_1348 = arith.constant 0 : i32
    %dma_wait3A_1349 = tpu.memref_slice %arg2[%dma_wait3A_1346, %mul3A_820, %dma_wait3A_1347, %dma_wait3A_1348] : memref<13x64x4x128xf32, #tpu.memory_space<hbm>> -> memref<1x32x1x128xf32, #tpu.memory_space<hbm>>
    %dma_wait3A_1350 = tpu.memref_squeeze %dma_wait3A_1349 : memref<1x32x1x128xf32, #tpu.memory_space<hbm>> -> memref<32x128xf32, #tpu.memory_space<hbm>>
    %dma_wait3A_1351 = arith.constant 0 : i32
    %dma_wait3A_1352 = arith.constant 0 : i32
    %dma_wait3A_1353 = tpu.memref_slice %arg3[%dma_wait3A_1345, %dma_wait3A_1351, %dma_wait3A_1352] : memref<13x32x128xf32, #tpu.memory_space<vmem_shared>> -> memref<1x32x128xf32, #tpu.memory_space<vmem_shared>>
    %dma_wait3A_1354 = tpu.memref_squeeze %dma_wait3A_1353 : memref<1x32x128xf32, #tpu.memory_space<vmem_shared>> -> memref<32x128xf32, #tpu.memory_space<vmem_shared>>
    tpu.wait_dma2 semaphore(%arg5 : memref<!tpu.dma_semaphore, #tpu.memory_space<semaphore_mem>>) src(%dma_wait3A_1354 : memref<32x128xf32, #tpu.memory_space<vmem_shared>>) dst(%dma_wait3A_1350 : memref<32x128xf32, #tpu.memory_space<hbm>>)
    %dma_wait3A_1355 = arith.constant 12 : i32
    %dma_wait3A_1356 = arith.constant 12 : i32
    %dma_wait3A_1357 = arith.constant 2 : i32
    %dma_wait3A_1358 = arith.constant 0 : i32
    %dma_wait3A_1359 = tpu.memref_slice %arg2[%dma_wait3A_1356, %mul3A_832, %dma_wait3A_1357, %dma_wait3A_1358] : memref<13x64x4x128xf32, #tpu.memory_space<hbm>> -> memref<1x32x1x128xf32, #tpu.memory_space<hbm>>
    %dma_wait3A_1360 = tpu.memref_squeeze %dma_wait3A_1359 : memref<1x32x1x128xf32, #tpu.memory_space<hbm>> -> memref<32x128xf32, #tpu.memory_space<hbm>>
    %dma_wait3A_1361 = arith.constant 0 : i32
    %dma_wait3A_1362 = arith.constant 0 : i32
    %dma_wait3A_1363 = tpu.memref_slice %arg3[%dma_wait3A_1355, %dma_wait3A_1361, %dma_wait3A_1362] : memref<13x32x128xf32, #tpu.memory_space<vmem_shared>> -> memref<1x32x128xf32, #tpu.memory_space<vmem_shared>>
    %dma_wait3A_1364 = tpu.memref_squeeze %dma_wait3A_1363 : memref<1x32x128xf32, #tpu.memory_space<vmem_shared>> -> memref<32x128xf32, #tpu.memory_space<vmem_shared>>
    tpu.wait_dma2 semaphore(%arg5 : memref<!tpu.dma_semaphore, #tpu.memory_space<semaphore_mem>>) src(%dma_wait3A_1364 : memref<32x128xf32, #tpu.memory_space<vmem_shared>>) dst(%dma_wait3A_1360 : memref<32x128xf32, #tpu.memory_space<hbm>>)
    %dma_wait3A_1365 = arith.constant 12 : i32
    %dma_wait3A_1366 = arith.constant 12 : i32
    %dma_wait3A_1367 = arith.constant 3 : i32
    %dma_wait3A_1368 = arith.constant 0 : i32
    %dma_wait3A_1369 = tpu.memref_slice %arg2[%dma_wait3A_1366, %mul3A_844, %dma_wait3A_1367, %dma_wait3A_1368] : memref<13x64x4x128xf32, #tpu.memory_space<hbm>> -> memref<1x32x1x128xf32, #tpu.memory_space<hbm>>
    %dma_wait3A_1370 = tpu.memref_squeeze %dma_wait3A_1369 : memref<1x32x1x128xf32, #tpu.memory_space<hbm>> -> memref<32x128xf32, #tpu.memory_space<hbm>>
    %dma_wait3A_1371 = arith.constant 0 : i32
    %dma_wait3A_1372 = arith.constant 0 : i32
    %dma_wait3A_1373 = tpu.memref_slice %arg3[%dma_wait3A_1365, %dma_wait3A_1371, %dma_wait3A_1372] : memref<13x32x128xf32, #tpu.memory_space<vmem_shared>> -> memref<1x32x128xf32, #tpu.memory_space<vmem_shared>>
    %dma_wait3A_1374 = tpu.memref_squeeze %dma_wait3A_1373 : memref<1x32x128xf32, #tpu.memory_space<vmem_shared>> -> memref<32x128xf32, #tpu.memory_space<vmem_shared>>
    tpu.wait_dma2 semaphore(%arg5 : memref<!tpu.dma_semaphore, #tpu.memory_space<semaphore_mem>>) src(%dma_wait3A_1374 : memref<32x128xf32, #tpu.memory_space<vmem_shared>>) dst(%dma_wait3A_1370 : memref<32x128xf32, #tpu.memory_space<hbm>>)
    return
  }
}

</mosaic_0001>

<sc_bundles>
// kernel: kernel.3.cloned.1.call-start
scs
__scs_entry_jumppad:
0x0: {  	(pc) =	sbr.rel $0x88, $3  }
0x1: {  	(tag) =	ssettag $0x0;
	lr =	simm.s32 $0x1  }
0x2: {  	[smem:$0x3FA0] =	sst lr;
	_ =	strace $0xD0000000  }
0x3: {  	_ = 	snop  }
0x4: {  	_ = 	snop  }
0x5: {  	_ = 	snop  }
0x6: {  	_ = 	snop  }
0x7: {  	_ = 	snop  }
__scs_overlays_trampoline_lowered:
0x8: {  	[smem:$0x3FAF] =	sst s0  }
0x9: {  	[smem:$0x3FB0] =	sst s1  }
0xa: {  	[smem:$0x3FB1] =	sst s2  }
0xb: {  	[smem:$0x3FB2] =	sst s3  }
0xc: {  	[smem:$0x3FB3] =	sst s4  }
0xd: {  	[smem:$0x3FB4] =	sst s5  }
0xe: {  	[smem:$0x3FB5] =	sst s6  }
0xf: {  	[smem:$0x3FB6] =	sst s7  }
0x10: {  	[smem:$0x3FB7] =	sst s8  }
0x11: {  	[smem:$0x3FB8] =	sst s9;
	s0 =	simm.s32 @!p0 $0x0  }
0x12: {  	s1 =	sld [smem:$0x3F9E];
	s0 =	simm.s32 @p0 $0x1  }
0x13: {  	[smem:$0x3FB9] =	sst s0;
	s0 =	simm.s32 @!p1 $0x0  }
0x14: {  	s2 =	sld [smem:$0x3F9D];
	s0 =	simm.s32 @p1 $0x1  }
0x15: {  	[smem:$0x3FBA] =	sst s0;
	s0 =	simm.s32 @!p2 $0x0  }
0x16: {  	s3 =	sld [smem:$0x3FDB];
	s0 =	simm.s32 @p2 $0x1  }
0x17: {  	s4 =	simm.s32 $0x1BF5;
	[smem:$0x3FBC] =	sst s0  }
0x18: {  	s0 =	sld [smem:$0x3F9F];
	_ =	swait.ge [sflag:s4], $0x0  }
0x19: {  	s7 =	sld [smem:$0x3FA0]  }
0x1a: {  	s8 =	sadd.s32 $0xFFFFE003, lr  }
0x1b: {  	s9 =	sadd.s32 $0xFFFFFEF7, lr;
	s5 =	simm.s32 $0xFFFFFFFF;
	p2 =	slt.u32 s8, $0xFFFFF086  }
0x1c: {  	p1 =	slt.u32 s9, $0xF7A;
	s5 =	simm.s32 @!p2 $0x0  }
0x1d: {  	s5 =	simm.s32 @p1 $0x1;
	p0 =	seq.s32 s7, s2  }
0x1e: {  	s7 =	smul.u32 @!p0 $0xF7A, s2;
	p2 =	seq.s32 @!p0 s5, $0x0  }
0x1f: {  	s9 =	smul.u32 $0xF7A, s1;
	s8 =	simm.s32 @!p0 $0x1BF5;
	p2 =	por !p2, p0  }
0x20: {  	[sflag:s8] =	ssyncset.s32 @!p0 $0xFFFFF086;
	s6 =	sadd.s32 @!p0 s3, s7;
	s7 =	simm.s32 @!p0 $0x108  }
0x21: {  	s3 =	sadd.s32 s3, s9;
	s6 =	sadd.s32 @!p0 $0x88, s6;
	s7 =	simm.s32 @p2 $0x1082  }
0x22: {  	[simem:s7], [sflag:s8] =	dma.local @!p0 [hbm:s6], $0xF7A  }
0x23: {  	s9 =	sor.u32 $0xD0000000, s2;
	s6 =	simm.s32 $0x108;
	_ =	swait.ge @!p0 [sflag:s8], $0x0  }
0x24: {  	s3 =	sadd.s32 $0x88, s3;
	s6 =	simm.s32 @!p1 $0x1082;
	[sflag:s4] =	ssyncset.s32 $0xFFFFF086  }
0x25: {  	[simem:s6], [sflag:s4] =	dma.local [hbm:s3], $0xF7A  }
0x26: {  	[smem:$0x3FA0] =	sst s1;
	(tag) =	ssettag s2;
	_ =	strace s9  }
0x27: {  	s1 =	sld [smem:$0x3FB0]  }
0x28: {  	s2 =	sld [smem:$0x3FB1]  }
0x29: {  	s4 =	sld [smem:$0x3FB3]  }
0x2a: {  	p0 =	seq.s32 s5, $0x0;
	s5 =	sld [smem:$0x3FB4]  }
0x2b: {  	s6 =	sld [smem:$0x3FB5]  }
0x2c: {  	s7 =	sld [smem:$0x3FB6]  }
0x2d: {  	s3 =	simm.s32 $0x108;
	s8 =	sld [smem:$0x3FB7]  }
0x2e: {  	s3 =	simm.s32 @!p0 $0x1082;
	s9 =	sld [smem:$0x3FB8]  }
0x2f: {  	lr =	sadd.s32 s0, s3;
	s0 =	sld [smem:$0x3FAF]  }
0x30: {  	s3 =	sld [smem:$0x3FB2]  }
0x31: {  	[smem:$0x3FBB] =	sst s10  }
0x32: {  	s10 =	sld [smem:$0x3FB9];
	_ =	sdelay $0x3  }
0x33: {  	p0 =	seq.s32 s10, $0x1;
	s10 =	sld [smem:$0x3FBB];
	_ =	sdelay $0x3  }
0x34: {  	[smem:$0x3FBB] =	sst s10  }
0x35: {  	s10 =	sld [smem:$0x3FBA];
	_ =	sdelay $0x3  }
0x36: {  	p1 =	seq.s32 s10, $0x1;
	s10 =	sld [smem:$0x3FBB];
	_ =	sdelay $0x3  }
0x37: {  	[smem:$0x3FBB] =	sst s10  }
0x38: {  	s10 =	sld [smem:$0x3FBC]  }
0x39: {  	_ = 	snop;
	(pc) =	sbr.ind lr, $3  }
0x3a: {  	_ = 	snop  }
0x3b: {  	_ = 	snop  }
0x3c: {  	p2 =	seq.s32 s10, $0x1;
	s10 =	sld [smem:$0x3FBB]  }
0x3d: {  	_ =	shalt  }
0x3e: {  	_ =	shalt  }
0x3f: {  	_ =	shalt  }
0x40: {  	_ =	shalt  }
0x41: {  	_ =	shalt  }
0x42: {  	_ =	shalt  }
0x43: {  	_ =	shalt  }
0x44: {  	_ =	shalt  }
0x45: {  	_ =	shalt  }
0x46: {  	_ =	shalt  }
0x47: {  	_ =	shalt  }
0x48: {  	_ =	shalt  }
0x49: {  	_ =	shalt  }
0x4a: {  	_ =	shalt  }
0x4b: {  	_ =	shalt  }
0x4c: {  	_ =	shalt  }
0x4d: {  	_ =	shalt  }
0x4e: {  	_ =	shalt  }
0x4f: {  	_ =	shalt  }
0x50: {  	_ =	shalt  }
0x51: {  	_ =	shalt  }
0x52: {  	_ =	shalt  }
0x53: {  	_ =	shalt  }
0x54: {  	_ =	shalt  }
0x55: {  	_ =	shalt  }
0x56: {  	_ =	shalt  }
0x57: {  	_ =	shalt  }
0x58: {  	_ =	shalt  }
0x59: {  	_ =	shalt  }
0x5a: {  	_ =	shalt  }
0x5b: {  	_ =	shalt  }
0x5c: {  	_ =	shalt  }
0x5d: {  	_ =	shalt  }
0x5e: {  	_ =	shalt  }
0x5f: {  	_ =	shalt  }
0x60: {  	_ =	shalt  }
0x61: {  	_ =	shalt  }
0x62: {  	_ =	shalt  }
0x63: {  	_ =	shalt  }
0x64: {  	_ =	shalt  }
0x65: {  	_ =	shalt  }
0x66: {  	_ =	shalt  }
0x67: {  	_ =	shalt  }
0x68: {  	_ =	shalt  }
0x69: {  	_ =	shalt  }
0x6a: {  	_ =	shalt  }
0x6b: {  	_ =	shalt  }
0x6c: {  	_ =	shalt  }
0x6d: {  	_ =	shalt  }
0x6e: {  	_ =	shalt  }
0x6f: {  	_ =	shalt  }
0x70: {  	_ =	shalt  }
0x71: {  	_ =	shalt  }
0x72: {  	_ =	shalt  }
0x73: {  	_ =	shalt  }
0x74: {  	_ =	shalt  }
0x75: {  	_ =	shalt  }
0x76: {  	_ =	shalt  }
0x77: {  	_ =	shalt  }
0x78: {  	_ =	shalt  }
0x79: {  	_ =	shalt  }
0x7a: {  	_ =	shalt  }
0x7b: {  	_ =	shalt  }
0x7c: {  	_ =	shalt  }
0x7d: {  	_ =	shalt  }
0x7e: {  	_ =	shalt  }
0x7f: {  	_ =	shalt  }
0x80: {  	_ =	shalt  }
0x81: {  	_ =	shalt  }
0x82: {  	_ =	shalt  }
0x83: {  	_ =	shalt  }
0x84: {  	_ =	shalt  }
0x85: {  	_ =	shalt  }
0x86: {  	_ =	shalt  }
0x87: {  	_ =	shalt  }
.Lfunc_end0:
.L_simem_size_0:
called_computation_lowered:
.L_overlay_start_0:
0x88: {  	s2 =	sld [smem:$0x3FD9]  }
0x89: {  	s3 =	sld [smem:$0x3FFE];
	_ =	sdelay $0x1  }
0x8a: {  	s1 =	srdreg.scid  }
0x8b: {  	s0 =	sand.u32 $0x1, s1  }
0x8c: {  	s12 =	sshll.u32 s0, $0xA;
	s2 =	sadd.s32 s3, s2  }
0x8d: {  	s2 =	sadd.s32 s2, s12  }
0x8e: {  	s18 =	simm.s32 $0x0;
	[smem:$0x3FC7] =	sst s2  }
0x8f: {  	[smem:$0xF] =	sst s18  }
0x90: {  	s13 =	sld [smem:$0x3FC9]  }
0x91: {  	s2 =	sld [smem:$0x3FD0];
	(tm) =	ssettm $0x1  }
0x92: {  	s4 =	sld [smem:$0x3FFB];
	_ =	sdelay $0x3  }
0x93: {  	_ =	strace s4  }
0x94: {  	s4 =	sld [smem:$0x3FFC];
	_ =	sdelay $0x3  }
0x95: {  	s14 =	simm.s32 $0x1B8B;
	s15 =	simm.s32 $0x1B8E;
	_ =	strace s4  }
0x96: {  	s7 =	simm.s32 $0x80;
	s5 =	simm.s32 $0x9;
	s4 =	sld [smem:$0x3FFD]  }
0x97: {  	s20 =	simm.s32 $0x200;
	s19 =	simm.s32 $0x400;
	s11 =	simm.s32 $0x1200  }
0x98: {  	s10 =	simm.s32 $0x1400;
	s9 =	simm.s32 $0x1600;
	s16 =	sshll.u32 s0, $0xC  }
0x99: {  	s3 =	simm.s32 $0x1;
	s12 =	simm.s32 $0x1000;
	s6 =	sadd.s32 s16, s13  }
0x9a: {  	s16 =	simm.s32 $0x800;
	s13 =	simm.s32 $0xE00;
	_ =	strace s4  }
0x9b: {  	s8 =	sadd.s32 $0x10, s6;
	s17 =	sadd.s32 $0x20, s6;
	_ =	strace $0x8FFFFFFF  }
0x9c: {  	s21 =	sadd.s32 $0x30, s6;
	s22 =	sadd.s32 $0x40, s6;
	_ =	swait.ge [sflag:s14], $0x1  }
0x9d: {  	s23 =	sadd.s32 $0x50, s6;
	s24 =	sadd.s32 $0x60, s6;
	[sflag:s14] =	ssyncset.done $0x0  }
0x9e: {  	s25 =	sadd.s32 $0x70, s6;
	s26 =	sadd.s32 $0x2000, s6;
	[sflag:s14] =	ssyncadd.s32 $0xFFFFFFFF  }
0x9f: {  	s28 =	sadd.s32 $0x2010, s6;
	s29 =	sadd.s32 $0x2020, s6;
	[smem:$0x3FD2] =	sst s15  }
0xa0: {  	s30 =	sadd.s32 $0x2030, s6;
	s4 =	simm.s32 $0x10;
	_ =	strace $0x80000046  }
0xa1: {  	[spmem:s18@s4], [sflag:s5] =	dma.strided [hbm:s6@s7], $0x200, s3, $0x10   }
0xa2: {  	[spmem:s20@s4], [sflag:s5] =	dma.strided [hbm:s8@s7], $0x200, s3, $0x10   }
0xa3: {  	[spmem:s19@s4], [sflag:s5] =	dma.strided [hbm:s17@s7], $0x200, s3, $0x10   }
0xa4: {  	s31 =	sadd.s32 $0x2040, s6;
	s14 =	simm.s32 $0xC00;
	s17 =	simm.s32 $0x600  }
0xa5: {  	[spmem:s17@s4], [sflag:s5] =	dma.strided [hbm:s21@s7], $0x200, s3, $0x10   }
0xa6: {  	s15 =	simm.s32 $0xA00;
	s6 =	simm.s32 $0x1800;
	s21 =	sshll.u32 s0, $0xB  }
0xa7: {  	[spmem:s16@s4], [sflag:s5] =	dma.strided [hbm:s22@s7], $0x200, s3, $0x10   }
0xa8: {  	[spmem:s15@s4], [sflag:s5] =	dma.strided [hbm:s23@s7], $0x200, s3, $0x10   }
0xa9: {  	[spmem:s14@s4], [sflag:s5] =	dma.strided [hbm:s24@s7], $0x200, s3, $0x10   }
0xaa: {  	[spmem:s13@s4], [sflag:s5] =	dma.strided [hbm:s25@s7], $0x200, s3, $0x10   }
0xab: {  	[spmem:s12@s4], [sflag:s5] =	dma.strided [hbm:s26@s7], $0x200, s3, $0x10   }
0xac: {  	[spmem:s11@s4], [sflag:s5] =	dma.strided [hbm:s28@s7], $0x200, s3, $0x10   }
0xad: {  	[spmem:s10@s4], [sflag:s5] =	dma.strided [hbm:s29@s7], $0x200, s3, $0x10   }
0xae: {  	[spmem:s9@s4], [sflag:s5] =	dma.strided [hbm:s30@s7], $0x200, s3, $0x10   }
0xaf: {  	[spmem:s6@s4], [sflag:s5] =	dma.strided [hbm:s31@s7], $0x200, s3, $0x10   }
0xb0: {  	s8 =	simm.s32 $0x40;
	s7 =	sadd.s32 s21, s2;
	_ =	swait.ge [sflag:s5], $0x200  }
0xb1: {  	s2 =	simm.s32 $0xA;
	s21 =	sadd.s32 $0x10, s7;
	[sflag:s5] =	ssyncset.done $0x0  }
0xb2: {  	s22 =	sadd.s32 $0x20, s7;
	s23 =	sadd.s32 $0x30, s7;
	[sflag:s5] =	ssyncadd.s32 $0xFFFFFE00  }
0xb3: {  	[hbm:s7@s8], [sflag:s2] =	dma.strided [spmem:s18@s4], $0x200, s3, $0x10   }
0xb4: {  	[hbm:s21@s8], [sflag:s2] =	dma.strided [spmem:s18@s4], $0x200, s3, $0x10   }
0xb5: {  	[hbm:s22@s8], [sflag:s2] =	dma.strided [spmem:s18@s4], $0x200, s3, $0x10   }
0xb6: {  	[hbm:s23@s8], [sflag:s2] =	dma.strided [spmem:s18@s4], $0x200, s3, $0x10   }
0xb7: {  	_ =	swait.ge [sflag:s5], $0x200  }
0xb8: {  	s24 =	sadd.s32 $0x1000, s7;
	s25 =	sadd.s32 $0x1010, s7;
	[sflag:s5] =	ssyncset.done $0x0  }
0xb9: {  	s26 =	sadd.s32 $0x1020, s7;
	s28 =	sadd.s32 $0x1030, s7;
	[sflag:s5] =	ssyncadd.s32 $0xFFFFFE00  }
0xba: {  	[hbm:s24@s8], [sflag:s2] =	dma.strided [spmem:s20@s4], $0x200, s3, $0x10   }
0xbb: {  	[hbm:s25@s8], [sflag:s2] =	dma.strided [spmem:s20@s4], $0x200, s3, $0x10   }
0xbc: {  	[hbm:s26@s8], [sflag:s2] =	dma.strided [spmem:s20@s4], $0x200, s3, $0x10   }
0xbd: {  	[hbm:s28@s8], [sflag:s2] =	dma.strided [spmem:s20@s4], $0x200, s3, $0x10   }
0xbe: {  	_ =	swait.ge [sflag:s5], $0x200  }
0xbf: {  	s29 =	sadd.s32 $0x2000, s7;
	s30 =	sadd.s32 $0x2010, s7;
	[sflag:s5] =	ssyncset.done $0x0  }
0xc0: {  	s31 =	sadd.s32 $0x2020, s7;
	s20 =	sadd.s32 $0x2030, s7;
	[sflag:s5] =	ssyncadd.s32 $0xFFFFFE00  }
0xc1: {  	[hbm:s29@s8], [sflag:s2] =	dma.strided [spmem:s19@s4], $0x200, s3, $0x10   }
0xc2: {  	[hbm:s30@s8], [sflag:s2] =	dma.strided [spmem:s19@s4], $0x200, s3, $0x10   }
0xc3: {  	[hbm:s31@s8], [sflag:s2] =	dma.strided [spmem:s19@s4], $0x200, s3, $0x10   }
0xc4: {  	[hbm:s20@s8], [sflag:s2] =	dma.strided [spmem:s19@s4], $0x200, s3, $0x10   }
0xc5: {  	_ =	swait.ge [sflag:s5], $0x200  }
0xc6: {  	s21 =	sadd.s32 $0x3000, s7;
	s22 =	sadd.s32 $0x3010, s7;
	[sflag:s5] =	ssyncset.done $0x0  }
0xc7: {  	s23 =	sadd.s32 $0x3020, s7;
	s24 =	sadd.s32 $0x3030, s7;
	[sflag:s5] =	ssyncadd.s32 $0xFFFFFE00  }
0xc8: {  	[hbm:s21@s8], [sflag:s2] =	dma.strided [spmem:s17@s4], $0x200, s3, $0x10   }
0xc9: {  	[hbm:s22@s8], [sflag:s2] =	dma.strided [spmem:s17@s4], $0x200, s3, $0x10   }
0xca: {  	[hbm:s23@s8], [sflag:s2] =	dma.strided [spmem:s17@s4], $0x200, s3, $0x10   }
0xcb: {  	[hbm:s24@s8], [sflag:s2] =	dma.strided [spmem:s17@s4], $0x200, s3, $0x10   }
0xcc: {  	_ =	swait.ge [sflag:s5], $0x200  }
0xcd: {  	s25 =	sadd.s32 $0x4000, s7;
	s26 =	sadd.s32 $0x4010, s7;
	[sflag:s5] =	ssyncset.done $0x0  }
0xce: {  	s28 =	sadd.s32 $0x4020, s7;
	s29 =	sadd.s32 $0x4030, s7;
	[sflag:s5] =	ssyncadd.s32 $0xFFFFFE00  }
0xcf: {  	[hbm:s25@s8], [sflag:s2] =	dma.strided [spmem:s16@s4], $0x200, s3, $0x10   }
0xd0: {  	[hbm:s26@s8], [sflag:s2] =	dma.strided [spmem:s16@s4], $0x200, s3, $0x10   }
0xd1: {  	[hbm:s28@s8], [sflag:s2] =	dma.strided [spmem:s16@s4], $0x200, s3, $0x10   }
0xd2: {  	[hbm:s29@s8], [sflag:s2] =	dma.strided [spmem:s16@s4], $0x200, s3, $0x10   }
0xd3: {  	_ =	swait.ge [sflag:s5], $0x200  }
0xd4: {  	s18 =	sadd.s32 $0x5030, s7;
	s30 =	sadd.s32 $0x5000, s7;
	[sflag:s5] =	ssyncset.done $0x0  }
0xd5: {  	s31 =	sadd.s32 $0x5010, s7;
	s17 =	sadd.s32 $0x5020, s7;
	[sflag:s5] =	ssyncadd.s32 $0xFFFFFE00  }
0xd6: {  	[hbm:s30@s8], [sflag:s2] =	dma.strided [spmem:s15@s4], $0x200, s3, $0x10   }
0xd7: {  	[hbm:s31@s8], [sflag:s2] =	dma.strided [spmem:s15@s4], $0x200, s3, $0x10   }
0xd8: {  	[hbm:s17@s8], [sflag:s2] =	dma.strided [spmem:s15@s4], $0x200, s3, $0x10   }
0xd9: {  	[hbm:s18@s8], [sflag:s2] =	dma.strided [spmem:s15@s4], $0x200, s3, $0x10   }
0xda: {  	_ =	swait.ge [sflag:s5], $0x200  }
0xdb: {  	s19 =	sadd.s32 $0x6000, s7;
	s20 =	sadd.s32 $0x6010, s7;
	[sflag:s5] =	ssyncset.done $0x0  }
0xdc: {  	s21 =	sadd.s32 $0x6020, s7;
	s22 =	sadd.s32 $0x6030, s7;
	[sflag:s5] =	ssyncadd.s32 $0xFFFFFE00  }
0xdd: {  	[hbm:s19@s8], [sflag:s2] =	dma.strided [spmem:s14@s4], $0x200, s3, $0x10   }
0xde: {  	[hbm:s20@s8], [sflag:s2] =	dma.strided [spmem:s14@s4], $0x200, s3, $0x10   }
0xdf: {  	[hbm:s21@s8], [sflag:s2] =	dma.strided [spmem:s14@s4], $0x200, s3, $0x10   }
0xe0: {  	[hbm:s22@s8], [sflag:s2] =	dma.strided [spmem:s14@s4], $0x200, s3, $0x10   }
0xe1: {  	_ =	swait.ge [sflag:s5], $0x200  }
0xe2: {  	s23 =	sadd.s32 $0x7000, s7;
	s24 =	sadd.s32 $0x7010, s7;
	[sflag:s5] =	ssyncset.done $0x0  }
0xe3: {  	s25 =	sadd.s32 $0x7020, s7;
	s26 =	sadd.s32 $0x7030, s7;
	[sflag:s5] =	ssyncadd.s32 $0xFFFFFE00  }
0xe4: {  	[hbm:s23@s8], [sflag:s2] =	dma.strided [spmem:s13@s4], $0x200, s3, $0x10   }
0xe5: {  	[hbm:s24@s8], [sflag:s2] =	dma.strided [spmem:s13@s4], $0x200, s3, $0x10   }
0xe6: {  	[hbm:s25@s8], [sflag:s2] =	dma.strided [spmem:s13@s4], $0x200, s3, $0x10   }
0xe7: {  	[hbm:s26@s8], [sflag:s2] =	dma.strided [spmem:s13@s4], $0x200, s3, $0x10   }
0xe8: {  	_ =	swait.ge [sflag:s5], $0x200  }
0xe9: {  	s28 =	sadd.s32 $0x8000, s7;
	s29 =	sadd.s32 $0x8010, s7;
	[sflag:s5] =	ssyncset.done $0x0  }
0xea: {  	s30 =	sadd.s32 $0x8020, s7;
	s31 =	sadd.s32 $0x8030, s7;
	[sflag:s5] =	ssyncadd.s32 $0xFFFFFE00  }
0xeb: {  	[hbm:s28@s8], [sflag:s2] =	dma.strided [spmem:s12@s4], $0x200, s3, $0x10   }
0xec: {  	[hbm:s29@s8], [sflag:s2] =	dma.strided [spmem:s12@s4], $0x200, s3, $0x10   }
0xed: {  	[hbm:s30@s8], [sflag:s2] =	dma.strided [spmem:s12@s4], $0x200, s3, $0x10   }
0xee: {  	[hbm:s31@s8], [sflag:s2] =	dma.strided [spmem:s12@s4], $0x200, s3, $0x10   }
0xef: {  	_ =	swait.ge [sflag:s5], $0x200  }
0xf0: {  	s16 =	sadd.s32 $0x9030, s7;
	s15 =	sadd.s32 $0x9020, s7;
	[sflag:s5] =	ssyncset.done $0x0  }
0xf1: {  	s14 =	sadd.s32 $0x9010, s7;
	s13 =	sadd.s32 $0x9000, s7;
	[sflag:s5] =	ssyncadd.s32 $0xFFFFFE00  }
0xf2: {  	[hbm:s13@s8], [sflag:s2] =	dma.strided [spmem:s11@s4], $0x200, s3, $0x10   }
0xf3: {  	[hbm:s14@s8], [sflag:s2] =	dma.strided [spmem:s11@s4], $0x200, s3, $0x10   }
0xf4: {  	[hbm:s15@s8], [sflag:s2] =	dma.strided [spmem:s11@s4], $0x200, s3, $0x10   }
0xf5: {  	[hbm:s16@s8], [sflag:s2] =	dma.strided [spmem:s11@s4], $0x200, s3, $0x10   }
0xf6: {  	_ =	swait.ge [sflag:s5], $0x200  }
0xf7: {  	s17 =	sadd.s32 $0xA000, s7;
	s18 =	sadd.s32 $0xA010, s7;
	[sflag:s5] =	ssyncset.done $0x0  }
0xf8: {  	s19 =	sadd.s32 $0xA020, s7;
	s20 =	sadd.s32 $0xA030, s7;
	[sflag:s5] =	ssyncadd.s32 $0xFFFFFE00  }
0xf9: {  	[hbm:s17@s8], [sflag:s2] =	dma.strided [spmem:s10@s4], $0x200, s3, $0x10   }
0xfa: {  	[hbm:s18@s8], [sflag:s2] =	dma.strided [spmem:s10@s4], $0x200, s3, $0x10   }
0xfb: {  	[hbm:s19@s8], [sflag:s2] =	dma.strided [spmem:s10@s4], $0x200, s3, $0x10   }
0xfc: {  	[hbm:s20@s8], [sflag:s2] =	dma.strided [spmem:s10@s4], $0x200, s3, $0x10   }
0xfd: {  	_ =	swait.ge [sflag:s5], $0x200  }
0xfe: {  	s21 =	sadd.s32 $0xB000, s7;
	s22 =	sadd.s32 $0xB010, s7;
	[sflag:s5] =	ssyncset.done $0x0  }
0xff: {  	s23 =	sadd.s32 $0xB020, s7;
	s24 =	sadd.s32 $0xB030, s7;
	[sflag:s5] =	ssyncadd.s32 $0xFFFFFE00  }
0x100: {  	[hbm:s21@s8], [sflag:s2] =	dma.strided [spmem:s9@s4], $0x200, s3, $0x10   }
0x101: {  	[hbm:s22@s8], [sflag:s2] =	dma.strided [spmem:s9@s4], $0x200, s3, $0x10   }
0x102: {  	[hbm:s23@s8], [sflag:s2] =	dma.strided [spmem:s9@s4], $0x200, s3, $0x10   }
0x103: {  	[hbm:s24@s8], [sflag:s2] =	dma.strided [spmem:s9@s4], $0x200, s3, $0x10   }
0x104: {  	_ =	swait.ge [sflag:s5], $0x200  }
0x105: {  	s25 =	sadd.s32 $0xC000, s7;
	s26 =	sadd.s32 $0xC010, s7;
	[sflag:s5] =	ssyncset.done $0x0  }
0x106: {  	s28 =	sadd.s32 $0xC020, s7;
	s29 =	sadd.s32 $0xC030, s7;
	[sflag:s5] =	ssyncadd.s32 $0xFFFFFE00  }
0x107: {  	[hbm:s25@s8], [sflag:s2] =	dma.strided [spmem:s6@s4], $0x200, s3, $0x10   }
0x108: {  	[hbm:s26@s8], [sflag:s2] =	dma.strided [spmem:s6@s4], $0x200, s3, $0x10   }
0x109: {  	[hbm:s28@s8], [sflag:s2] =	dma.strided [spmem:s6@s4], $0x200, s3, $0x10   }
0x10a: {  	[hbm:s29@s8], [sflag:s2] =	dma.strided [spmem:s6@s4], $0x200, s3, $0x10   }
0x10b: {  	_ =	swait.ge [sflag:s2], $0x200  }
0x10c: {  	[sflag:s2] =	ssyncset.done $0x0  }
0x10d: {  	[sflag:s2] =	ssyncadd.s32 $0xFFFFFE00;
	_ =	sdelay $0x2  }
0x10e: {  	_ =	swait.ge [sflag:s2], $0x200  }
0x10f: {  	[sflag:s2] =	ssyncset.done $0x0  }
0x110: {  	[sflag:s2] =	ssyncadd.s32 $0xFFFFFE00;
	_ =	sdelay $0x2  }
0x111: {  	_ =	swait.ge [sflag:s2], $0x200  }
0x112: {  	[sflag:s2] =	ssyncset.done $0x0  }
0x113: {  	[sflag:s2] =	ssyncadd.s32 $0xFFFFFE00;
	_ =	sdelay $0x2  }
0x114: {  	_ =	swait.ge [sflag:s2], $0x200  }
0x115: {  	[sflag:s2] =	ssyncset.done $0x0  }
0x116: {  	[sflag:s2] =	ssyncadd.s32 $0xFFFFFE00;
	_ =	sdelay $0x2  }
0x117: {  	_ =	swait.ge [sflag:s2], $0x200  }
0x118: {  	[sflag:s2] =	ssyncset.done $0x0  }
0x119: {  	[sflag:s2] =	ssyncadd.s32 $0xFFFFFE00;
	_ =	sdelay $0x2  }
0x11a: {  	_ =	swait.ge [sflag:s2], $0x200  }
0x11b: {  	[sflag:s2] =	ssyncset.done $0x0  }
0x11c: {  	[sflag:s2] =	ssyncadd.s32 $0xFFFFFE00;
	_ =	sdelay $0x2  }
0x11d: {  	_ =	swait.ge [sflag:s2], $0x200  }
0x11e: {  	[sflag:s2] =	ssyncset.done $0x0  }
0x11f: {  	[sflag:s2] =	ssyncadd.s32 $0xFFFFFE00;
	_ =	sdelay $0x2  }
0x120: {  	_ =	swait.ge [sflag:s2], $0x200  }
0x121: {  	[sflag:s2] =	ssyncset.done $0x0  }
0x122: {  	[sflag:s2] =	ssyncadd.s32 $0xFFFFFE00;
	_ =	sdelay $0x2  }
0x123: {  	_ =	swait.ge [sflag:s2], $0x200  }
0x124: {  	[sflag:s2] =	ssyncset.done $0x0  }
0x125: {  	[sflag:s2] =	ssyncadd.s32 $0xFFFFFE00;
	_ =	sdelay $0x2  }
0x126: {  	_ =	swait.ge [sflag:s2], $0x200  }
0x127: {  	[sflag:s2] =	ssyncset.done $0x0  }
0x128: {  	[sflag:s2] =	ssyncadd.s32 $0xFFFFFE00;
	_ =	sdelay $0x2  }
0x129: {  	_ =	swait.ge [sflag:s2], $0x200  }
0x12a: {  	[sflag:s2] =	ssyncset.done $0x0  }
0x12b: {  	[sflag:s2] =	ssyncadd.s32 $0xFFFFFE00;
	_ =	sdelay $0x2  }
0x12c: {  	_ =	swait.ge [sflag:s2], $0x200  }
0x12d: {  	[sflag:s2] =	ssyncset.done $0x0  }
0x12e: {  	[sflag:s2] =	ssyncadd.s32 $0xFFFFFE00;
	_ =	sdelay $0x2  }
0x12f: {  	_ =	swait.ge [sflag:s2], $0x200  }
0x130: {  	[sflag:s2] =	ssyncset.done $0x0  }
0x131: {  	[sflag:s2] =	ssyncadd.s32 $0xFFFFFE00;
	_ =	sdelay $0x2  }
0x132: {  	_ =	swait.ge [sflag:s2], $0x200  }
0x133: {  	[sflag:s2] =	ssyncset.done $0x0  }
0x134: {  	[sflag:s2] =	ssyncadd.s32 $0xFFFFFE00;
	_ =	sdelay $0x2  }
0x135: {  	_ =	swait.ge [sflag:s2], $0x200  }
0x136: {  	[sflag:s2] =	ssyncset.done $0x0  }
0x137: {  	[sflag:s2] =	ssyncadd.s32 $0xFFFFFE00;
	_ =	sdelay $0x2  }
0x138: {  	_ =	swait.ge [sflag:s2], $0x200  }
0x139: {  	[sflag:s2] =	ssyncset.done $0x0  }
0x13a: {  	[sflag:s2] =	ssyncadd.s32 $0xFFFFFE00;
	_ =	sdelay $0x2  }
0x13b: {  	_ =	swait.ge [sflag:s2], $0x200  }
0x13c: {  	[sflag:s2] =	ssyncset.done $0x0  }
0x13d: {  	[sflag:s2] =	ssyncadd.s32 $0xFFFFFE00;
	_ =	sdelay $0x2  }
0x13e: {  	_ =	swait.ge [sflag:s2], $0x200  }
0x13f: {  	[sflag:s2] =	ssyncset.done $0x0  }
0x140: {  	[sflag:s2] =	ssyncadd.s32 $0xFFFFFE00;
	_ =	sdelay $0x2  }
0x141: {  	_ =	swait.ge [sflag:s2], $0x200  }
0x142: {  	[sflag:s2] =	ssyncset.done $0x0  }
0x143: {  	[sflag:s2] =	ssyncadd.s32 $0xFFFFFE00;
	_ =	sdelay $0x2  }
0x144: {  	_ =	swait.ge [sflag:s2], $0x200  }
0x145: {  	[sflag:s2] =	ssyncset.done $0x0  }
0x146: {  	[sflag:s2] =	ssyncadd.s32 $0xFFFFFE00;
	_ =	sdelay $0x2  }
0x147: {  	_ =	swait.ge [sflag:s2], $0x200  }
0x148: {  	[sflag:s2] =	ssyncset.done $0x0  }
0x149: {  	[sflag:s2] =	ssyncadd.s32 $0xFFFFFE00;
	_ =	sdelay $0x2  }
0x14a: {  	_ =	swait.ge [sflag:s2], $0x200  }
0x14b: {  	[sflag:s2] =	ssyncset.done $0x0  }
0x14c: {  	[sflag:s2] =	ssyncadd.s32 $0xFFFFFE00;
	_ =	sdelay $0x2  }
0x14d: {  	_ =	swait.ge [sflag:s2], $0x200  }
0x14e: {  	[sflag:s2] =	ssyncset.done $0x0  }
0x14f: {  	[sflag:s2] =	ssyncadd.s32 $0xFFFFFE00;
	_ =	sdelay $0x2  }
0x150: {  	_ =	swait.ge [sflag:s2], $0x200  }
0x151: {  	[sflag:s2] =	ssyncset.done $0x0  }
0x152: {  	[sflag:s2] =	ssyncadd.s32 $0xFFFFFE00;
	_ =	sdelay $0x2  }
0x153: {  	_ =	swait.ge [sflag:s2], $0x200  }
0x154: {  	[sflag:s2] =	ssyncset.done $0x0  }
0x155: {  	[sflag:s2] =	ssyncadd.s32 $0xFFFFFE00;
	_ =	sdelay $0x2  }
0x156: {  	_ =	swait.ge [sflag:s2], $0x200  }
0x157: {  	[sflag:s2] =	ssyncset.done $0x0  }
0x158: {  	[sflag:s2] =	ssyncadd.s32 $0xFFFFFE00;
	_ =	sdelay $0x2  }
0x159: {  	_ =	swait.ge [sflag:s2], $0x200  }
0x15a: {  	[sflag:s2] =	ssyncset.done $0x0  }
0x15b: {  	[sflag:s2] =	ssyncadd.s32 $0xFFFFFE00;
	_ =	sdelay $0x2  }
0x15c: {  	_ =	swait.ge [sflag:s2], $0x200  }
0x15d: {  	[sflag:s2] =	ssyncset.done $0x0  }
0x15e: {  	[sflag:s2] =	ssyncadd.s32 $0xFFFFFE00;
	_ =	sdelay $0x2  }
0x15f: {  	_ =	swait.ge [sflag:s2], $0x200  }
0x160: {  	[sflag:s2] =	ssyncset.done $0x0  }
0x161: {  	[sflag:s2] =	ssyncadd.s32 $0xFFFFFE00;
	_ =	sdelay $0x2  }
0x162: {  	_ =	swait.ge [sflag:s2], $0x200  }
0x163: {  	[sflag:s2] =	ssyncset.done $0x0  }
0x164: {  	[sflag:s2] =	ssyncadd.s32 $0xFFFFFE00;
	_ =	sdelay $0x2  }
0x165: {  	_ =	swait.ge [sflag:s2], $0x200  }
0x166: {  	[sflag:s2] =	ssyncset.done $0x0  }
0x167: {  	[sflag:s2] =	ssyncadd.s32 $0xFFFFFE00;
	_ =	sdelay $0x2  }
0x168: {  	_ =	swait.ge [sflag:s2], $0x200  }
0x169: {  	[sflag:s2] =	ssyncset.done $0x0  }
0x16a: {  	[sflag:s2] =	ssyncadd.s32 $0xFFFFFE00;
	_ =	sdelay $0x2  }
0x16b: {  	_ =	swait.ge [sflag:s2], $0x200  }
0x16c: {  	[sflag:s2] =	ssyncset.done $0x0  }
0x16d: {  	[sflag:s2] =	ssyncadd.s32 $0xFFFFFE00;
	_ =	sdelay $0x2  }
0x16e: {  	_ =	swait.ge [sflag:s2], $0x200  }
0x16f: {  	[sflag:s2] =	ssyncset.done $0x0  }
0x170: {  	[sflag:s2] =	ssyncadd.s32 $0xFFFFFE00;
	_ =	sdelay $0x2  }
0x171: {  	_ =	swait.ge [sflag:s2], $0x200  }
0x172: {  	[sflag:s2] =	ssyncset.done $0x0  }
0x173: {  	[sflag:s2] =	ssyncadd.s32 $0xFFFFFE00;
	_ =	sdelay $0x2  }
0x174: {  	_ =	swait.ge [sflag:s2], $0x200  }
0x175: {  	[sflag:s2] =	ssyncset.done $0x0  }
0x176: {  	[sflag:s2] =	ssyncadd.s32 $0xFFFFFE00;
	_ =	sdelay $0x2  }
0x177: {  	_ =	swait.ge [sflag:s2], $0x200  }
0x178: {  	[sflag:s2] =	ssyncset.done $0x0  }
0x179: {  	[sflag:s2] =	ssyncadd.s32 $0xFFFFFE00;
	_ =	sdelay $0x2  }
0x17a: {  	_ =	swait.ge [sflag:s2], $0x200  }
0x17b: {  	[sflag:s2] =	ssyncset.done $0x0  }
0x17c: {  	[sflag:s2] =	ssyncadd.s32 $0xFFFFFE00;
	_ =	sdelay $0x2  }
0x17d: {  	_ =	swait.ge [sflag:s2], $0x200  }
0x17e: {  	[sflag:s2] =	ssyncset.done $0x0  }
0x17f: {  	[sflag:s2] =	ssyncadd.s32 $0xFFFFFE00;
	_ =	sdelay $0x2  }
0x180: {  	_ =	swait.ge [sflag:s2], $0x200  }
0x181: {  	[sflag:s2] =	ssyncset.done $0x0  }
0x182: {  	[sflag:s2] =	ssyncadd.s32 $0xFFFFFE00;
	_ =	sdelay $0x2  }
0x183: {  	_ =	swait.ge [sflag:s2], $0x200  }
0x184: {  	[sflag:s2] =	ssyncset.done $0x0  }
0x185: {  	[sflag:s2] =	ssyncadd.s32 $0xFFFFFE00;
	_ =	sdelay $0x2  }
0x186: {  	_ =	swait.ge [sflag:s2], $0x200  }
0x187: {  	[sflag:s2] =	ssyncset.done $0x0  }
0x188: {  	[sflag:s2] =	ssyncadd.s32 $0xFFFFFE00;
	_ =	sdelay $0x2  }
0x189: {  	_ =	swait.ge [sflag:s2], $0x200  }
0x18a: {  	[sflag:s2] =	ssyncset.done $0x0  }
0x18b: {  	[sflag:s2] =	ssyncadd.s32 $0xFFFFFE00;
	_ =	sdelay $0x2  }
0x18c: {  	_ =	swait.ge [sflag:s2], $0x200  }
0x18d: {  	[sflag:s2] =	ssyncset.done $0x0  }
0x18e: {  	[sflag:s2] =	ssyncadd.s32 $0xFFFFFE00;
	_ =	sdelay $0x2  }
0x18f: {  	_ =	swait.ge [sflag:s2], $0x200  }
0x190: {  	[sflag:s2] =	ssyncset.done $0x0  }
0x191: {  	[sflag:s2] =	ssyncadd.s32 $0xFFFFFE00;
	_ =	sdelay $0x2  }
0x192: {  	_ =	swait.ge [sflag:s2], $0x200  }
0x193: {  	[sflag:s2] =	ssyncset.done $0x0  }
0x194: {  	[sflag:s2] =	ssyncadd.s32 $0xFFFFFE00;
	_ =	sdelay $0x2  }
0x195: {  	_ =	swait.ge [sflag:s2], $0x200  }
0x196: {  	[sflag:s2] =	ssyncset.done $0x0  }
0x197: {  	[sflag:s2] =	ssyncadd.s32 $0xFFFFFE00;
	_ =	sdelay $0x2  }
0x198: {  	_ =	swait.ge [sflag:s2], $0x200  }
0x199: {  	[sflag:s2] =	ssyncset.done $0x0  }
0x19a: {  	[sflag:s2] =	ssyncadd.s32 $0xFFFFFE00;
	_ =	sdelay $0x2  }
0x19b: {  	_ =	swait.ge [sflag:s2], $0x200  }
0x19c: {  	[sflag:s2] =	ssyncset.done $0x0  }
0x19d: {  	[sflag:s2] =	ssyncadd.s32 $0xFFFFFE00;
	_ =	sdelay $0x2  }
0x19e: {  	_ =	swait.ge [sflag:s2], $0x200  }
0x19f: {  	[sflag:s2] =	ssyncset.done $0x0  }
0x1a0: {  	[sflag:s2] =	ssyncadd.s32 $0xFFFFFE00;
	_ =	sdelay $0x2  }
0x1a1: {  	_ =	swait.ge [sflag:s2], $0x200  }
0x1a2: {  	[sflag:s2] =	ssyncset.done $0x0  }
0x1a3: {  	[sflag:s2] =	ssyncadd.s32 $0xFFFFFE00;
	_ =	sdelay $0x2  }
0x1a4: {  	_ =	swait.ge [sflag:s2], $0x200  }
0x1a5: {  	[sflag:s2] =	ssyncset.done $0x0  }
0x1a6: {  	[sflag:s2] =	ssyncadd.s32 $0xFFFFFE00  }
0x1a7: {  	_ =	strace $0x90000046  }
0x1a8: {  	_ =	sfence  }
0x1a9: {  	s30 =	sld [smem:$0x0];
	_ =	sdelay $0x2  }
0x1aa: {  	s31 =	sshll.u32 s1, $0xD;
	s1 =	sshrl.u32 s1, $0x2  }
0x1ab: {  	s3 =	sand.u32 $0x4000, s31;
	s1 =	sadd.s32 s1, s30  }
0x1ac: {  	s0 =	sor.u32 s3, s0;
	s1 =	sshll.u32 s1, $0x11  }
0x1ad: {  	s0 =	sor.u32 s1, s0  }
0x1ae: {  	s0 =	sadd.s32 $0x8F2B, s0;
	(pc) =	sbr.abs _section_cstart, $3  }
0x1af: {  	[sflag:s0] =	ssyncadd.remote.s32 $0x1  }
0x1b0: {  	_ =	strace $0x9FFFFFFF  }
0x1b1: {  	(tm) =	ssettm $0x7FFFFFFF  }

</sc_bundles>
